<compile_context>
chip_gen: v7x
topology: tpu7x:2x2x1
jax: 0.10.2.dev20260603
libtpu: 0.0.44.dev20260713+nightly
codegen_flags: <defaults>
</compile_context>

<pallas_src>
import functools

import jax
import jax.numpy as jnp
from jax import lax
from jax.experimental import pallas as pl
from jax.experimental.pallas import tpu as pltpu
from jax.experimental.pallas import tpu_sc as plsc

DE = 64
TOKEN_SIZE = 100000
BATCH = 4
SEQ = 2048

_info = plsc.get_sparse_core_info()
NC, NS = _info.num_cores, _info.num_subcores
NW = NC * NS
NPASS = DE // NW
GRP = SEQ // 16


def _embed_body(idx_hbm, tok_hbm, pos_hbm, out_hbm,
                idx_v, row_v, pos_v, out0, out1, sem, osem):
    wid = lax.axis_index("s") * NC + lax.axis_index("c")
    dims = [p * NW + wid for p in range(NPASS)]
    outs = (out0, out1)

    row_cp = pltpu.async_copy(tok_hbm.at[dims[0]], row_v, sem)
    pltpu.sync_copy(idx_hbm, idx_v)
    for p in range(NPASS):
        pltpu.sync_copy(pos_hbm.at[dims[p]], pos_v.at[p])

    out_cps = []
    for p in range(NPASS):
        row_cp.wait()
        out_v = outs[p]

        @plsc.parallel_loop(0, GRP, unroll=4)
        def gather_add(g, out_v=out_v, p=p):
            sl = pl.ds(g * 16, 16)
            csl = pl.ds((g % 8) * 16, 16)
            pv = pos_v[p, sl]
            for b in range(BATCH):
                ids = idx_v[(g // 8) * BATCH + b, csl]
                out_v[b, sl] = plsc.load_gather(row_v, [ids]) + pv

        if p + 1 < NPASS:
            row_cp = pltpu.async_copy(tok_hbm.at[dims[p + 1]], row_v, sem)
        for b in range(BATCH):
            out_cps.append(
                pltpu.async_copy(out_v.at[b], out_hbm.at[b, dims[p]], osem))

    for cp in out_cps:
        cp.wait()


@functools.partial(
    pl.kernel,
    mesh=plsc.VectorSubcoreMesh(core_axis_name="c", subcore_axis_name="s"),
    out_type=jax.ShapeDtypeStruct((BATCH, DE, SEQ), jnp.float32),
    compiler_params=pltpu.CompilerParams(needs_layout_passes=False),
    scratch_types=[
        pltpu.VMEM((BATCH * SEQ // 128, 128), jnp.int32),
        pltpu.VMEM((TOKEN_SIZE,), jnp.float32),
        pltpu.VMEM((NPASS, SEQ), jnp.float32),
        pltpu.VMEM((BATCH, SEQ), jnp.float32),
        pltpu.VMEM((BATCH, SEQ), jnp.float32),
        pltpu.SemaphoreType.DMA,
        pltpu.SemaphoreType.DMA,
    ],
)
def _embed(idx_hbm, tok_hbm, pos_hbm, out_hbm,
           idx_v, row_v, pos_v, out0, out1, sem, osem):
    _embed_body(idx_hbm, tok_hbm, pos_hbm, out_hbm,
                idx_v, row_v, pos_v, out0, out1, sem, osem)


def kernel(inputs, token_table, pos_table):
    idx = inputs.astype(jnp.int32).reshape(BATCH, SEQ // 128, 128)
    idx = jnp.transpose(idx, (1, 0, 2)).reshape(BATCH * SEQ // 128, 128)
    out = _embed(idx, token_table.T, pos_table.T)
    return jnp.transpose(out, (0, 2, 1))

# --- scband reference (transcript-rebuilt; emitter-appended) ---
"""Pipeline reference for scband-embed-34651796144481 (READ-ONLY COPY).

The authoritative reference and input builder live on the scoring server;
editing this copy changes nothing except your own understanding.
"""

import jax, jax.numpy as jnp
import numpy as np

DE = 64
TOKEN_SIZE = 100000
MAX_CONTEXT = 2048
BATCH = 4
SEQ = 2048

def setup_inputs(seed: int = 0) -> dict:
    key = jax.random.key(seed)
    k1, k2, k3 = jax.random.split(key, 3)
    inputs = jax.random.randint(k1, (BATCH, SEQ), 0, TOKEN_SIZE, dtype=jnp.int64) if jax.config.read('jax_enable_x64') else jax.random.randint(k1, (BATCH, SEQ), 0, TOKEN_SIZE)
    token_table = jax.random.normal(k2, (TOKEN_SIZE, DE), dtype=jnp.float32) * 0.02
    pos_table = jax.random.normal(k3, (MAX_CONTEXT, DE), dtype=jnp.float32) * 0.02
    return {"inputs": inputs, "token_table": token_table, "pos_table": pos_table}

def reference(inputs, token_table, pos_table):
    # Token embedding lookup (gather) + learned positional embedding, sliced to seq len
    seq = inputs.shape[-1]
    tok = jnp.take(token_table, inputs, axis=0)          # [B, S, De]
    pos = pos_table[None, :seq, :]                        # [1, S, De]
    return tok + pos

if __name__ == "__main__":
    import jax
    _d = setup_inputs()
    print(jax.jit(kernel)(*tuple(_d.values())))

</pallas_src>

<mosaic_0001>
#map = affine_map<(d0, d1) -> (0, 0)>
#map1 = affine_map<(d0, d1) -> (0, 0, 0)>
module attributes {stable_mosaic.version = 14 : i64} {
  func.func @_embed(%arg0: i32, %arg1: i32, %arg2: memref<64x128xi32, #tpu.memory_space<hbm>>, %arg3: memref<64x100000xf32, #tpu.memory_space<hbm>>, %arg4: memref<64x2048xf32, #tpu.memory_space<hbm>>, %arg5: memref<4x64x2048xf32, #tpu.memory_space<hbm>>, %arg6: memref<64x128xi32, #tpu.memory_space<vmem>>, %arg7: memref<100000xf32, #tpu.memory_space<vmem>>, %arg8: memref<2x2048xf32, #tpu.memory_space<vmem>>, %arg9: memref<4x2048xf32, #tpu.memory_space<vmem>>, %arg10: memref<4x2048xf32, #tpu.memory_space<vmem>>, %arg11: memref<!tpu.dma_semaphore, #tpu.memory_space<semaphore_mem>>, %arg12: memref<!tpu.dma_semaphore, #tpu.memory_space<semaphore_mem>>) attributes {dimension_semantics = [#tpu.dimension_semantics<core_parallel>, #tpu.dimension_semantics<subcore_parallel>], iteration_bounds = array<i64: 2, 16>, scalar_prefetch = 0 : i64, scratch_operands = 7 : i64, tpu.core_type = #tpu.core_type<sc_vector_subcore>, window_params = [{transform_indices = #map}, {transform_indices = #map}, {transform_indices = #map}, {transform_indices = #map1}]} {
    %mul3A = arith.constant 2 : i32
    %mul3A_0 = arith.muli %arg1, %mul3A : i32
    %add3A = arith.addi %mul3A_0, %arg0 : i32
    %add3A_1 = arith.constant 0 : i32
    %add3A_2 = arith.addi %add3A_1, %add3A : i32
    %add3A_3 = arith.constant 32 : i32
    %add3A_4 = arith.addi %add3A_3, %add3A : i32
    %dma_start3A = arith.constant 0 : i32
    %dma_start3A_5 = tpu.memref_slice %arg3[%add3A_2, %dma_start3A] : memref<64x100000xf32, #tpu.memory_space<hbm>> -> memref<1x100000xf32, #tpu.memory_space<hbm>>
    %dma_start3A_6 = tpu.memref_squeeze %dma_start3A_5 : memref<1x100000xf32, #tpu.memory_space<hbm>> -> memref<100000xf32, #tpu.memory_space<hbm>>
    %dma_start3A_7 = arith.constant 0 : i32
    %dma_start3A_8 = tpu.memref_slice %arg3[%add3A_2, %dma_start3A_7] : memref<64x100000xf32, #tpu.memory_space<hbm>> -> memref<1x100000xf32, #tpu.memory_space<hbm>>
    %dma_start3A_9 = tpu.memref_squeeze %dma_start3A_8 : memref<1x100000xf32, #tpu.memory_space<hbm>> -> memref<100000xf32, #tpu.memory_space<hbm>>
    tpu.enqueue_dma source(%dma_start3A_9 : memref<100000xf32, #tpu.memory_space<hbm>>) target(%arg7 : memref<100000xf32, #tpu.memory_space<vmem>>) target_semaphore(%arg11 : memref<!tpu.dma_semaphore, #tpu.memory_space<semaphore_mem>>)
    "tpu.region"() ({
      %run_scoped3A_257 = tpu.sem_alloc : memref<!tpu.dma_semaphore, #tpu.memory_space<semaphore_mem>>
      tpu.enqueue_dma source(%arg2 : memref<64x128xi32, #tpu.memory_space<hbm>>) target(%arg6 : memref<64x128xi32, #tpu.memory_space<vmem>>) target_semaphore(%run_scoped3A_257 : memref<!tpu.dma_semaphore, #tpu.memory_space<semaphore_mem>>)
      tpu.wait_dma2 semaphore(%run_scoped3A_257 : memref<!tpu.dma_semaphore, #tpu.memory_space<semaphore_mem>>) src(%arg2 : memref<64x128xi32, #tpu.memory_space<hbm>>) dst(%arg6 : memref<64x128xi32, #tpu.memory_space<vmem>>)
      tpu.yield
    }) : () -> ()
    %run_scoped3A = arith.constant 0 : i32
    "tpu.region"() ({
      %run_scoped3A_257 = tpu.sem_alloc : memref<!tpu.dma_semaphore, #tpu.memory_space<semaphore_mem>>
      %dma_start3A_258 = arith.constant 0 : i32
      %dma_start3A_259 = tpu.memref_slice %arg8[%run_scoped3A, %dma_start3A_258] : memref<2x2048xf32, #tpu.memory_space<vmem>> -> memref<1x2048xf32, #tpu.memory_space<vmem>>
      %dma_start3A_260 = tpu.memref_squeeze %dma_start3A_259 : memref<1x2048xf32, #tpu.memory_space<vmem>> -> memref<2048xf32, #tpu.memory_space<vmem>>
      %dma_start3A_261 = arith.constant 0 : i32
      %dma_start3A_262 = tpu.memref_slice %arg4[%add3A_2, %dma_start3A_261] : memref<64x2048xf32, #tpu.memory_space<hbm>> -> memref<1x2048xf32, #tpu.memory_space<hbm>>
      %dma_start3A_263 = tpu.memref_squeeze %dma_start3A_262 : memref<1x2048xf32, #tpu.memory_space<hbm>> -> memref<2048xf32, #tpu.memory_space<hbm>>
      %dma_start3A_264 = arith.constant 0 : i32
      %dma_start3A_265 = tpu.memref_slice %arg8[%run_scoped3A, %dma_start3A_264] : memref<2x2048xf32, #tpu.memory_space<vmem>> -> memref<1x2048xf32, #tpu.memory_space<vmem>>
      %dma_start3A_266 = tpu.memref_squeeze %dma_start3A_265 : memref<1x2048xf32, #tpu.memory_space<vmem>> -> memref<2048xf32, #tpu.memory_space<vmem>>
      %dma_start3A_267 = arith.constant 0 : i32
      %dma_start3A_268 = tpu.memref_slice %arg4[%add3A_2, %dma_start3A_267] : memref<64x2048xf32, #tpu.memory_space<hbm>> -> memref<1x2048xf32, #tpu.memory_space<hbm>>
      %dma_start3A_269 = tpu.memref_squeeze %dma_start3A_268 : memref<1x2048xf32, #tpu.memory_space<hbm>> -> memref<2048xf32, #tpu.memory_space<hbm>>
      tpu.enqueue_dma source(%dma_start3A_269 : memref<2048xf32, #tpu.memory_space<hbm>>) target(%dma_start3A_266 : memref<2048xf32, #tpu.memory_space<vmem>>) target_semaphore(%run_scoped3A_257 : memref<!tpu.dma_semaphore, #tpu.memory_space<semaphore_mem>>)
      %dma_wait3A_270 = arith.constant 0 : i32
      %dma_wait3A_271 = tpu.memref_slice %arg8[%run_scoped3A, %dma_wait3A_270] : memref<2x2048xf32, #tpu.memory_space<vmem>> -> memref<1x2048xf32, #tpu.memory_space<vmem>>
      %dma_wait3A_272 = tpu.memref_squeeze %dma_wait3A_271 : memref<1x2048xf32, #tpu.memory_space<vmem>> -> memref<2048xf32, #tpu.memory_space<vmem>>
      %dma_wait3A_273 = arith.constant 0 : i32
      %dma_wait3A_274 = tpu.memref_slice %arg4[%add3A_2, %dma_wait3A_273] : memref<64x2048xf32, #tpu.memory_space<hbm>> -> memref<1x2048xf32, #tpu.memory_space<hbm>>
      %dma_wait3A_275 = tpu.memref_squeeze %dma_wait3A_274 : memref<1x2048xf32, #tpu.memory_space<hbm>> -> memref<2048xf32, #tpu.memory_space<hbm>>
      %dma_wait3A_276 = arith.constant 0 : i32
      %dma_wait3A_277 = tpu.memref_slice %arg8[%run_scoped3A, %dma_wait3A_276] : memref<2x2048xf32, #tpu.memory_space<vmem>> -> memref<1x2048xf32, #tpu.memory_space<vmem>>
      %dma_wait3A_278 = tpu.memref_squeeze %dma_wait3A_277 : memref<1x2048xf32, #tpu.memory_space<vmem>> -> memref<2048xf32, #tpu.memory_space<vmem>>
      %dma_wait3A_279 = arith.constant 0 : i32
      %dma_wait3A_280 = tpu.memref_slice %arg4[%add3A_2, %dma_wait3A_279] : memref<64x2048xf32, #tpu.memory_space<hbm>> -> memref<1x2048xf32, #tpu.memory_space<hbm>>
      %dma_wait3A_281 = tpu.memref_squeeze %dma_wait3A_280 : memref<1x2048xf32, #tpu.memory_space<hbm>> -> memref<2048xf32, #tpu.memory_space<hbm>>
      tpu.wait_dma2 semaphore(%run_scoped3A_257 : memref<!tpu.dma_semaphore, #tpu.memory_space<semaphore_mem>>) src(%dma_wait3A_281 : memref<2048xf32, #tpu.memory_space<hbm>>) dst(%dma_wait3A_278 : memref<2048xf32, #tpu.memory_space<vmem>>)
      tpu.yield
    }) : () -> ()
    %run_scoped3A_10 = arith.constant 1 : i32
    "tpu.region"() ({
      %run_scoped3A_257 = tpu.sem_alloc : memref<!tpu.dma_semaphore, #tpu.memory_space<semaphore_mem>>
      %dma_start3A_258 = arith.constant 0 : i32
      %dma_start3A_259 = tpu.memref_slice %arg8[%run_scoped3A_10, %dma_start3A_258] : memref<2x2048xf32, #tpu.memory_space<vmem>> -> memref<1x2048xf32, #tpu.memory_space<vmem>>
      %dma_start3A_260 = tpu.memref_squeeze %dma_start3A_259 : memref<1x2048xf32, #tpu.memory_space<vmem>> -> memref<2048xf32, #tpu.memory_space<vmem>>
      %dma_start3A_261 = arith.constant 0 : i32
      %dma_start3A_262 = tpu.memref_slice %arg4[%add3A_4, %dma_start3A_261] : memref<64x2048xf32, #tpu.memory_space<hbm>> -> memref<1x2048xf32, #tpu.memory_space<hbm>>
      %dma_start3A_263 = tpu.memref_squeeze %dma_start3A_262 : memref<1x2048xf32, #tpu.memory_space<hbm>> -> memref<2048xf32, #tpu.memory_space<hbm>>
      %dma_start3A_264 = arith.constant 0 : i32
      %dma_start3A_265 = tpu.memref_slice %arg8[%run_scoped3A_10, %dma_start3A_264] : memref<2x2048xf32, #tpu.memory_space<vmem>> -> memref<1x2048xf32, #tpu.memory_space<vmem>>
      %dma_start3A_266 = tpu.memref_squeeze %dma_start3A_265 : memref<1x2048xf32, #tpu.memory_space<vmem>> -> memref<2048xf32, #tpu.memory_space<vmem>>
      %dma_start3A_267 = arith.constant 0 : i32
      %dma_start3A_268 = tpu.memref_slice %arg4[%add3A_4, %dma_start3A_267] : memref<64x2048xf32, #tpu.memory_space<hbm>> -> memref<1x2048xf32, #tpu.memory_space<hbm>>
      %dma_start3A_269 = tpu.memref_squeeze %dma_start3A_268 : memref<1x2048xf32, #tpu.memory_space<hbm>> -> memref<2048xf32, #tpu.memory_space<hbm>>
      tpu.enqueue_dma source(%dma_start3A_269 : memref<2048xf32, #tpu.memory_space<hbm>>) target(%dma_start3A_266 : memref<2048xf32, #tpu.memory_space<vmem>>) target_semaphore(%run_scoped3A_257 : memref<!tpu.dma_semaphore, #tpu.memory_space<semaphore_mem>>)
      %dma_wait3A_270 = arith.constant 0 : i32
      %dma_wait3A_271 = tpu.memref_slice %arg8[%run_scoped3A_10, %dma_wait3A_270] : memref<2x2048xf32, #tpu.memory_space<vmem>> -> memref<1x2048xf32, #tpu.memory_space<vmem>>
      %dma_wait3A_272 = tpu.memref_squeeze %dma_wait3A_271 : memref<1x2048xf32, #tpu.memory_space<vmem>> -> memref<2048xf32, #tpu.memory_space<vmem>>
      %dma_wait3A_273 = arith.constant 0 : i32
      %dma_wait3A_274 = tpu.memref_slice %arg4[%add3A_4, %dma_wait3A_273] : memref<64x2048xf32, #tpu.memory_space<hbm>> -> memref<1x2048xf32, #tpu.memory_space<hbm>>
      %dma_wait3A_275 = tpu.memref_squeeze %dma_wait3A_274 : memref<1x2048xf32, #tpu.memory_space<hbm>> -> memref<2048xf32, #tpu.memory_space<hbm>>
      %dma_wait3A_276 = arith.constant 0 : i32
      %dma_wait3A_277 = tpu.memref_slice %arg8[%run_scoped3A_10, %dma_wait3A_276] : memref<2x2048xf32, #tpu.memory_space<vmem>> -> memref<1x2048xf32, #tpu.memory_space<vmem>>
      %dma_wait3A_278 = tpu.memref_squeeze %dma_wait3A_277 : memref<1x2048xf32, #tpu.memory_space<vmem>> -> memref<2048xf32, #tpu.memory_space<vmem>>
      %dma_wait3A_279 = arith.constant 0 : i32
      %dma_wait3A_280 = tpu.memref_slice %arg4[%add3A_4, %dma_wait3A_279] : memref<64x2048xf32, #tpu.memory_space<hbm>> -> memref<1x2048xf32, #tpu.memory_space<hbm>>
      %dma_wait3A_281 = tpu.memref_squeeze %dma_wait3A_280 : memref<1x2048xf32, #tpu.memory_space<hbm>> -> memref<2048xf32, #tpu.memory_space<hbm>>
      tpu.wait_dma2 semaphore(%run_scoped3A_257 : memref<!tpu.dma_semaphore, #tpu.memory_space<semaphore_mem>>) src(%dma_wait3A_281 : memref<2048xf32, #tpu.memory_space<hbm>>) dst(%dma_wait3A_278 : memref<2048xf32, #tpu.memory_space<vmem>>)
      tpu.yield
    }) : () -> ()
    %dma_wait3A = arith.constant 0 : i32
    %dma_wait3A_11 = tpu.memref_slice %arg3[%add3A_2, %dma_wait3A] : memref<64x100000xf32, #tpu.memory_space<hbm>> -> memref<1x100000xf32, #tpu.memory_space<hbm>>
    %dma_wait3A_12 = tpu.memref_squeeze %dma_wait3A_11 : memref<1x100000xf32, #tpu.memory_space<hbm>> -> memref<100000xf32, #tpu.memory_space<hbm>>
    %dma_wait3A_13 = arith.constant 0 : i32
    %dma_wait3A_14 = tpu.memref_slice %arg3[%add3A_2, %dma_wait3A_13] : memref<64x100000xf32, #tpu.memory_space<hbm>> -> memref<1x100000xf32, #tpu.memory_space<hbm>>
    %dma_wait3A_15 = tpu.memref_squeeze %dma_wait3A_14 : memref<1x100000xf32, #tpu.memory_space<hbm>> -> memref<100000xf32, #tpu.memory_space<hbm>>
    tpu.wait_dma2 semaphore(%arg11 : memref<!tpu.dma_semaphore, #tpu.memory_space<semaphore_mem>>) src(%dma_wait3A_15 : memref<100000xf32, #tpu.memory_space<hbm>>) dst(%arg7 : memref<100000xf32, #tpu.memory_space<vmem>>)
    %parallel_loop3A = arith.constant 0 : i32
    %parallel_loop3A_16 = arith.constant 128 : i32
    %parallel_loop3A_17 = arith.constant 1 : i32
    scf.for %parallel_loop3A_257 = %parallel_loop3A to %parallel_loop3A_16 step %parallel_loop3A_17  : i32 {
      %parallel_loop3A_258 = arith.constant 16 : i32
      %parallel_loop3A_259 = arith.muli %parallel_loop3A_257, %parallel_loop3A_258 : i32
      %parallel_loop3A_260 = arith.constant 8 : i32
      %parallel_loop3A_261 = arith.constant 0 : i32
      %parallel_loop3A_262 = arith.cmpi eq, %parallel_loop3A_260, %parallel_loop3A_261 : i32
      %parallel_loop3A_263 = arith.constant 1 : i32
      %parallel_loop3A_264 = arith.select %parallel_loop3A_262, %parallel_loop3A_263, %parallel_loop3A_260 : i32
      %parallel_loop3A_265 = arith.remsi %parallel_loop3A_257, %parallel_loop3A_264 : i32
      %parallel_loop3A_266 = arith.constant 0 : i32
      %parallel_loop3A_267 = arith.cmpi ne, %parallel_loop3A_265, %parallel_loop3A_266 : i32
      %parallel_loop3A_268 = arith.constant 0 : i32
      %parallel_loop3A_269 = arith.cmpi slt, %parallel_loop3A_265, %parallel_loop3A_268 : i32
      %parallel_loop3A_270 = arith.constant 0 : i32
      %parallel_loop3A_271 = arith.cmpi slt, %parallel_loop3A_264, %parallel_loop3A_270 : i32
      %parallel_loop3A_272 = arith.xori %parallel_loop3A_269, %parallel_loop3A_271 : i1
      %parallel_loop3A_273 = arith.andi %parallel_loop3A_272, %parallel_loop3A_267 : i1
      %parallel_loop3A_274 = arith.addi %parallel_loop3A_265, %parallel_loop3A_264 : i32
      %parallel_loop3A_275 = arith.select %parallel_loop3A_273, %parallel_loop3A_274, %parallel_loop3A_265 : i32
      %parallel_loop3A_276 = arith.constant 16 : i32
      %parallel_loop3A_277 = arith.muli %parallel_loop3A_275, %parallel_loop3A_276 : i32
      %parallel_loop3A_278 = arith.constant 0 : i32
      %parallel_loop3A_279 = arith.index_cast %parallel_loop3A_278 : i32 to index
      %parallel_loop3A_280 = arith.index_cast %parallel_loop3A_259 : i32 to index
      %parallel_loop3A_281 = tpu.vector_load %arg8[%parallel_loop3A_279, %parallel_loop3A_280] {strides = array<i32>} : memref<2x2048xf32, #tpu.memory_space<vmem>>, vector<16xf32>,
      %parallel_loop3A_282 = arith.constant 8 : i32
      %parallel_loop3A_283 = arith.divsi %parallel_loop3A_257, %parallel_loop3A_282 : i32
      %parallel_loop3A_284 = arith.constant 0 : i32
      %parallel_loop3A_285 = arith.cmpi sgt, %parallel_loop3A_257, %parallel_loop3A_284 : i32
      %parallel_loop3A_286 = arith.extui %parallel_loop3A_285 : i1 to i32
      %parallel_loop3A_287 = arith.constant 0 : i32
      %parallel_loop3A_288 = arith.cmpi slt, %parallel_loop3A_257, %parallel_loop3A_287 : i32
      %parallel_loop3A_289 = arith.extui %parallel_loop3A_288 : i1 to i32
      %parallel_loop3A_290 = arith.subi %parallel_loop3A_286, %parallel_loop3A_289 : i32
      %parallel_loop3A_291 = arith.constant 0 : i32
      %parallel_loop3A_292 = arith.cmpi sgt, %parallel_loop3A_282, %parallel_loop3A_291 : i32
      %parallel_loop3A_293 = arith.extui %parallel_loop3A_292 : i1 to i32
      %parallel_loop3A_294 = arith.constant 0 : i32
      %parallel_loop3A_295 = arith.cmpi slt, %parallel_loop3A_282, %parallel_loop3A_294 : i32
      %parallel_loop3A_296 = arith.extui %parallel_loop3A_295 : i1 to i32
      %parallel_loop3A_297 = arith.subi %parallel_loop3A_293, %parallel_loop3A_296 : i32
      %parallel_loop3A_298 = arith.cmpi ne, %parallel_loop3A_290, %parallel_loop3A_297 : i32
      %parallel_loop3A_299 = arith.remsi %parallel_loop3A_257, %parallel_loop3A_282 : i32
      %parallel_loop3A_300 = arith.constant 0 : i32
      %parallel_loop3A_301 = arith.cmpi ne, %parallel_loop3A_299, %parallel_loop3A_300 : i32
      %parallel_loop3A_302 = arith.andi %parallel_loop3A_298, %parallel_loop3A_301 : i1
      %parallel_loop3A_303 = arith.constant 1 : i32
      %parallel_loop3A_304 = arith.subi %parallel_loop3A_283, %parallel_loop3A_303 : i32
      %parallel_loop3A_305 = arith.select %parallel_loop3A_302, %parallel_loop3A_304, %parallel_loop3A_283 : i32
      %parallel_loop3A_306 = arith.constant 4 : i32
      %parallel_loop3A_307 = arith.muli %parallel_loop3A_305, %parallel_loop3A_306 : i32
      %parallel_loop3A_308 = arith.constant 0 : i32
      %parallel_loop3A_309 = arith.addi %parallel_loop3A_307, %parallel_loop3A_308 : i32
      %parallel_loop3A_310 = arith.index_cast %parallel_loop3A_309 : i32 to index
      %parallel_loop3A_311 = arith.index_cast %parallel_loop3A_277 : i32 to index
      %parallel_loop3A_312 = tpu.vector_load %arg6[%parallel_loop3A_310, %parallel_loop3A_311] {strides = array<i32>} : memref<64x128xi32, #tpu.memory_space<vmem>>, vector<16xi32>,
      %parallel_loop3A_313 = tpu.vector_load_idx %arg7[%parallel_loop3A_312] : memref<100000xf32, #tpu.memory_space<vmem>>[vector<16xi32>], vector<16xf32>,
      %parallel_loop3A_314 = arith.addf %parallel_loop3A_313, %parallel_loop3A_281 : vector<16xf32>
      %parallel_loop3A_315 = arith.constant 0 : i32
      %parallel_loop3A_316 = arith.index_cast %parallel_loop3A_315 : i32 to index
      %parallel_loop3A_317 = arith.index_cast %parallel_loop3A_259 : i32 to index
      %parallel_loop3A_318 = tpu.vector_load %arg9[%parallel_loop3A_316, %parallel_loop3A_317] {strides = array<i32>} : memref<4x2048xf32, #tpu.memory_space<vmem>>, vector<16xf32>,
      tpu.vector_store %arg9[%parallel_loop3A_316, %parallel_loop3A_317], %parallel_loop3A_314 {strides = array<i32>} : memref<4x2048xf32, #tpu.memory_space<vmem>>, vector<16xf32>,
      %parallel_loop3A_319 = arith.constant 8 : i32
      %parallel_loop3A_320 = arith.divsi %parallel_loop3A_257, %parallel_loop3A_319 : i32
      %parallel_loop3A_321 = arith.constant 0 : i32
      %parallel_loop3A_322 = arith.cmpi sgt, %parallel_loop3A_257, %parallel_loop3A_321 : i32
      %parallel_loop3A_323 = arith.extui %parallel_loop3A_322 : i1 to i32
      %parallel_loop3A_324 = arith.constant 0 : i32
      %parallel_loop3A_325 = arith.cmpi slt, %parallel_loop3A_257, %parallel_loop3A_324 : i32
      %parallel_loop3A_326 = arith.extui %parallel_loop3A_325 : i1 to i32
      %parallel_loop3A_327 = arith.subi %parallel_loop3A_323, %parallel_loop3A_326 : i32
      %parallel_loop3A_328 = arith.constant 0 : i32
      %parallel_loop3A_329 = arith.cmpi sgt, %parallel_loop3A_319, %parallel_loop3A_328 : i32
      %parallel_loop3A_330 = arith.extui %parallel_loop3A_329 : i1 to i32
      %parallel_loop3A_331 = arith.constant 0 : i32
      %parallel_loop3A_332 = arith.cmpi slt, %parallel_loop3A_319, %parallel_loop3A_331 : i32
      %parallel_loop3A_333 = arith.extui %parallel_loop3A_332 : i1 to i32
      %parallel_loop3A_334 = arith.subi %parallel_loop3A_330, %parallel_loop3A_333 : i32
      %parallel_loop3A_335 = arith.cmpi ne, %parallel_loop3A_327, %parallel_loop3A_334 : i32
      %parallel_loop3A_336 = arith.remsi %parallel_loop3A_257, %parallel_loop3A_319 : i32
      %parallel_loop3A_337 = arith.constant 0 : i32
      %parallel_loop3A_338 = arith.cmpi ne, %parallel_loop3A_336, %parallel_loop3A_337 : i32
      %parallel_loop3A_339 = arith.andi %parallel_loop3A_335, %parallel_loop3A_338 : i1
      %parallel_loop3A_340 = arith.constant 1 : i32
      %parallel_loop3A_341 = arith.subi %parallel_loop3A_320, %parallel_loop3A_340 : i32
      %parallel_loop3A_342 = arith.select %parallel_loop3A_339, %parallel_loop3A_341, %parallel_loop3A_320 : i32
      %parallel_loop3A_343 = arith.constant 4 : i32
      %parallel_loop3A_344 = arith.muli %parallel_loop3A_342, %parallel_loop3A_343 : i32
      %parallel_loop3A_345 = arith.constant 1 : i32
      %parallel_loop3A_346 = arith.addi %parallel_loop3A_344, %parallel_loop3A_345 : i32
      %parallel_loop3A_347 = arith.index_cast %parallel_loop3A_346 : i32 to index
      %parallel_loop3A_348 = arith.index_cast %parallel_loop3A_277 : i32 to index
      %parallel_loop3A_349 = tpu.vector_load %arg6[%parallel_loop3A_347, %parallel_loop3A_348] {strides = array<i32>} : memref<64x128xi32, #tpu.memory_space<vmem>>, vector<16xi32>,
      %parallel_loop3A_350 = tpu.vector_load_idx %arg7[%parallel_loop3A_349] : memref<100000xf32, #tpu.memory_space<vmem>>[vector<16xi32>], vector<16xf32>,
      %parallel_loop3A_351 = arith.addf %parallel_loop3A_350, %parallel_loop3A_281 : vector<16xf32>
      %parallel_loop3A_352 = arith.constant 1 : i32
      %parallel_loop3A_353 = arith.index_cast %parallel_loop3A_352 : i32 to index
      %parallel_loop3A_354 = arith.index_cast %parallel_loop3A_259 : i32 to index
      %parallel_loop3A_355 = tpu.vector_load %arg9[%parallel_loop3A_353, %parallel_loop3A_354] {strides = array<i32>} : memref<4x2048xf32, #tpu.memory_space<vmem>>, vector<16xf32>,
      tpu.vector_store %arg9[%parallel_loop3A_353, %parallel_loop3A_354], %parallel_loop3A_351 {strides = array<i32>} : memref<4x2048xf32, #tpu.memory_space<vmem>>, vector<16xf32>,
      %parallel_loop3A_356 = arith.constant 8 : i32
      %parallel_loop3A_357 = arith.divsi %parallel_loop3A_257, %parallel_loop3A_356 : i32
      %parallel_loop3A_358 = arith.constant 0 : i32
      %parallel_loop3A_359 = arith.cmpi sgt, %parallel_loop3A_257, %parallel_loop3A_358 : i32
      %parallel_loop3A_360 = arith.extui %parallel_loop3A_359 : i1 to i32
      %parallel_loop3A_361 = arith.constant 0 : i32
      %parallel_loop3A_362 = arith.cmpi slt, %parallel_loop3A_257, %parallel_loop3A_361 : i32
      %parallel_loop3A_363 = arith.extui %parallel_loop3A_362 : i1 to i32
      %parallel_loop3A_364 = arith.subi %parallel_loop3A_360, %parallel_loop3A_363 : i32
      %parallel_loop3A_365 = arith.constant 0 : i32
      %parallel_loop3A_366 = arith.cmpi sgt, %parallel_loop3A_356, %parallel_loop3A_365 : i32
      %parallel_loop3A_367 = arith.extui %parallel_loop3A_366 : i1 to i32
      %parallel_loop3A_368 = arith.constant 0 : i32
      %parallel_loop3A_369 = arith.cmpi slt, %parallel_loop3A_356, %parallel_loop3A_368 : i32
      %parallel_loop3A_370 = arith.extui %parallel_loop3A_369 : i1 to i32
      %parallel_loop3A_371 = arith.subi %parallel_loop3A_367, %parallel_loop3A_370 : i32
      %parallel_loop3A_372 = arith.cmpi ne, %parallel_loop3A_364, %parallel_loop3A_371 : i32
      %parallel_loop3A_373 = arith.remsi %parallel_loop3A_257, %parallel_loop3A_356 : i32
      %parallel_loop3A_374 = arith.constant 0 : i32
      %parallel_loop3A_375 = arith.cmpi ne, %parallel_loop3A_373, %parallel_loop3A_374 : i32
      %parallel_loop3A_376 = arith.andi %parallel_loop3A_372, %parallel_loop3A_375 : i1
      %parallel_loop3A_377 = arith.constant 1 : i32
      %parallel_loop3A_378 = arith.subi %parallel_loop3A_357, %parallel_loop3A_377 : i32
      %parallel_loop3A_379 = arith.select %parallel_loop3A_376, %parallel_loop3A_378, %parallel_loop3A_357 : i32
      %parallel_loop3A_380 = arith.constant 4 : i32
      %parallel_loop3A_381 = arith.muli %parallel_loop3A_379, %parallel_loop3A_380 : i32
      %parallel_loop3A_382 = arith.constant 2 : i32
      %parallel_loop3A_383 = arith.addi %parallel_loop3A_381, %parallel_loop3A_382 : i32
      %parallel_loop3A_384 = arith.index_cast %parallel_loop3A_383 : i32 to index
      %parallel_loop3A_385 = arith.index_cast %parallel_loop3A_277 : i32 to index
      %parallel_loop3A_386 = tpu.vector_load %arg6[%parallel_loop3A_384, %parallel_loop3A_385] {strides = array<i32>} : memref<64x128xi32, #tpu.memory_space<vmem>>, vector<16xi32>,
      %parallel_loop3A_387 = tpu.vector_load_idx %arg7[%parallel_loop3A_386] : memref<100000xf32, #tpu.memory_space<vmem>>[vector<16xi32>], vector<16xf32>,
      %parallel_loop3A_388 = arith.addf %parallel_loop3A_387, %parallel_loop3A_281 : vector<16xf32>
      %parallel_loop3A_389 = arith.constant 2 : i32
      %parallel_loop3A_390 = arith.index_cast %parallel_loop3A_389 : i32 to index
      %parallel_loop3A_391 = arith.index_cast %parallel_loop3A_259 : i32 to index
      %parallel_loop3A_392 = tpu.vector_load %arg9[%parallel_loop3A_390, %parallel_loop3A_391] {strides = array<i32>} : memref<4x2048xf32, #tpu.memory_space<vmem>>, vector<16xf32>,
      tpu.vector_store %arg9[%parallel_loop3A_390, %parallel_loop3A_391], %parallel_loop3A_388 {strides = array<i32>} : memref<4x2048xf32, #tpu.memory_space<vmem>>, vector<16xf32>,
      %parallel_loop3A_393 = arith.constant 8 : i32
      %parallel_loop3A_394 = arith.divsi %parallel_loop3A_257, %parallel_loop3A_393 : i32
      %parallel_loop3A_395 = arith.constant 0 : i32
      %parallel_loop3A_396 = arith.cmpi sgt, %parallel_loop3A_257, %parallel_loop3A_395 : i32
      %parallel_loop3A_397 = arith.extui %parallel_loop3A_396 : i1 to i32
      %parallel_loop3A_398 = arith.constant 0 : i32
      %parallel_loop3A_399 = arith.cmpi slt, %parallel_loop3A_257, %parallel_loop3A_398 : i32
      %parallel_loop3A_400 = arith.extui %parallel_loop3A_399 : i1 to i32
      %parallel_loop3A_401 = arith.subi %parallel_loop3A_397, %parallel_loop3A_400 : i32
      %parallel_loop3A_402 = arith.constant 0 : i32
      %parallel_loop3A_403 = arith.cmpi sgt, %parallel_loop3A_393, %parallel_loop3A_402 : i32
      %parallel_loop3A_404 = arith.extui %parallel_loop3A_403 : i1 to i32
      %parallel_loop3A_405 = arith.constant 0 : i32
      %parallel_loop3A_406 = arith.cmpi slt, %parallel_loop3A_393, %parallel_loop3A_405 : i32
      %parallel_loop3A_407 = arith.extui %parallel_loop3A_406 : i1 to i32
      %parallel_loop3A_408 = arith.subi %parallel_loop3A_404, %parallel_loop3A_407 : i32
      %parallel_loop3A_409 = arith.cmpi ne, %parallel_loop3A_401, %parallel_loop3A_408 : i32
      %parallel_loop3A_410 = arith.remsi %parallel_loop3A_257, %parallel_loop3A_393 : i32
      %parallel_loop3A_411 = arith.constant 0 : i32
      %parallel_loop3A_412 = arith.cmpi ne, %parallel_loop3A_410, %parallel_loop3A_411 : i32
      %parallel_loop3A_413 = arith.andi %parallel_loop3A_409, %parallel_loop3A_412 : i1
      %parallel_loop3A_414 = arith.constant 1 : i32
      %parallel_loop3A_415 = arith.subi %parallel_loop3A_394, %parallel_loop3A_414 : i32
      %parallel_loop3A_416 = arith.select %parallel_loop3A_413, %parallel_loop3A_415, %parallel_loop3A_394 : i32
      %parallel_loop3A_417 = arith.constant 4 : i32
      %parallel_loop3A_418 = arith.muli %parallel_loop3A_416, %parallel_loop3A_417 : i32
      %parallel_loop3A_419 = arith.constant 3 : i32
      %parallel_loop3A_420 = arith.addi %parallel_loop3A_418, %parallel_loop3A_419 : i32
      %parallel_loop3A_421 = arith.index_cast %parallel_loop3A_420 : i32 to index
      %parallel_loop3A_422 = arith.index_cast %parallel_loop3A_277 : i32 to index
      %parallel_loop3A_423 = tpu.vector_load %arg6[%parallel_loop3A_421, %parallel_loop3A_422] {strides = array<i32>} : memref<64x128xi32, #tpu.memory_space<vmem>>, vector<16xi32>,
      %parallel_loop3A_424 = tpu.vector_load_idx %arg7[%parallel_loop3A_423] : memref<100000xf32, #tpu.memory_space<vmem>>[vector<16xi32>], vector<16xf32>,
      %parallel_loop3A_425 = arith.addf %parallel_loop3A_424, %parallel_loop3A_281 : vector<16xf32>
      %parallel_loop3A_426 = arith.constant 3 : i32
      %parallel_loop3A_427 = arith.index_cast %parallel_loop3A_426 : i32 to index
      %parallel_loop3A_428 = arith.index_cast %parallel_loop3A_259 : i32 to index
      %parallel_loop3A_429 = tpu.vector_load %arg9[%parallel_loop3A_427, %parallel_loop3A_428] {strides = array<i32>} : memref<4x2048xf32, #tpu.memory_space<vmem>>, vector<16xf32>,
      tpu.vector_store %arg9[%parallel_loop3A_427, %parallel_loop3A_428], %parallel_loop3A_425 {strides = array<i32>} : memref<4x2048xf32, #tpu.memory_space<vmem>>, vector<16xf32>,
    } {sc.loop_unroll_factor = 4 : i64, sc.parallel_access}
    %dma_start3A_18 = arith.constant 0 : i32
    %dma_start3A_19 = tpu.memref_slice %arg3[%add3A_4, %dma_start3A_18] : memref<64x100000xf32, #tpu.memory_space<hbm>> -> memref<1x100000xf32, #tpu.memory_space<hbm>>
    %dma_start3A_20 = tpu.memref_squeeze %dma_start3A_19 : memref<1x100000xf32, #tpu.memory_space<hbm>> -> memref<100000xf32, #tpu.memory_space<hbm>>
    %dma_start3A_21 = arith.constant 0 : i32
    %dma_start3A_22 = tpu.memref_slice %arg3[%add3A_4, %dma_start3A_21] : memref<64x100000xf32, #tpu.memory_space<hbm>> -> memref<1x100000xf32, #tpu.memory_space<hbm>>
    %dma_start3A_23 = tpu.memref_squeeze %dma_start3A_22 : memref<1x100000xf32, #tpu.memory_space<hbm>> -> memref<100000xf32, #tpu.memory_space<hbm>>
    tpu.enqueue_dma source(%dma_start3A_23 : memref<100000xf32, #tpu.memory_space<hbm>>) target(%arg7 : memref<100000xf32, #tpu.memory_space<vmem>>) target_semaphore(%arg11 : memref<!tpu.dma_semaphore, #tpu.memory_space<semaphore_mem>>)
    %dma_start3A_24 = arith.constant 0 : i32
    %dma_start3A_25 = arith.constant 0 : i32
    %dma_start3A_26 = arith.constant 0 : i32
    %dma_start3A_27 = tpu.memref_slice %arg9[%dma_start3A_24, %dma_start3A_26] : memref<4x2048xf32, #tpu.memory_space<vmem>> -> memref<1x2048xf32, #tpu.memory_space<vmem>>
    %dma_start3A_28 = tpu.memref_squeeze %dma_start3A_27 : memref<1x2048xf32, #tpu.memory_space<vmem>> -> memref<2048xf32, #tpu.memory_space<vmem>>
    %dma_start3A_29 = arith.constant 0 : i32
    %dma_start3A_30 = tpu.memref_slice %arg5[%dma_start3A_25, %add3A_2, %dma_start3A_29] : memref<4x64x2048xf32, #tpu.memory_space<hbm>> -> memref<1x1x2048xf32, #tpu.memory_space<hbm>>
    %dma_start3A_31 = tpu.memref_squeeze %dma_start3A_30 : memref<1x1x2048xf32, #tpu.memory_space<hbm>> -> memref<2048xf32, #tpu.memory_space<hbm>>
    %dma_start3A_32 = arith.constant 0 : i32
    %dma_start3A_33 = tpu.memref_slice %arg5[%dma_start3A_25, %add3A_2, %dma_start3A_32] : memref<4x64x2048xf32, #tpu.memory_space<hbm>> -> memref<1x1x2048xf32, #tpu.memory_space<hbm>>
    %dma_start3A_34 = tpu.memref_squeeze %dma_start3A_33 : memref<1x1x2048xf32, #tpu.memory_space<hbm>> -> memref<2048xf32, #tpu.memory_space<hbm>>
    %dma_start3A_35 = arith.constant 0 : i32
    %dma_start3A_36 = tpu.memref_slice %arg9[%dma_start3A_24, %dma_start3A_35] : memref<4x2048xf32, #tpu.memory_space<vmem>> -> memref<1x2048xf32, #tpu.memory_space<vmem>>
    %dma_start3A_37 = tpu.memref_squeeze %dma_start3A_36 : memref<1x2048xf32, #tpu.memory_space<vmem>> -> memref<2048xf32, #tpu.memory_space<vmem>>
    tpu.enqueue_dma source(%dma_start3A_37 : memref<2048xf32, #tpu.memory_space<vmem>>) target(%dma_start3A_34 : memref<2048xf32, #tpu.memory_space<hbm>>) target_semaphore(%arg12 : memref<!tpu.dma_semaphore, #tpu.memory_space<semaphore_mem>>)
    %dma_start3A_38 = arith.constant 1 : i32
    %dma_start3A_39 = arith.constant 1 : i32
    %dma_start3A_40 = arith.constant 0 : i32
    %dma_start3A_41 = tpu.memref_slice %arg9[%dma_start3A_38, %dma_start3A_40] : memref<4x2048xf32, #tpu.memory_space<vmem>> -> memref<1x2048xf32, #tpu.memory_space<vmem>>
    %dma_start3A_42 = tpu.memref_squeeze %dma_start3A_41 : memref<1x2048xf32, #tpu.memory_space<vmem>> -> memref<2048xf32, #tpu.memory_space<vmem>>
    %dma_start3A_43 = arith.constant 0 : i32
    %dma_start3A_44 = tpu.memref_slice %arg5[%dma_start3A_39, %add3A_2, %dma_start3A_43] : memref<4x64x2048xf32, #tpu.memory_space<hbm>> -> memref<1x1x2048xf32, #tpu.memory_space<hbm>>
    %dma_start3A_45 = tpu.memref_squeeze %dma_start3A_44 : memref<1x1x2048xf32, #tpu.memory_space<hbm>> -> memref<2048xf32, #tpu.memory_space<hbm>>
    %dma_start3A_46 = arith.constant 0 : i32
    %dma_start3A_47 = tpu.memref_slice %arg5[%dma_start3A_39, %add3A_2, %dma_start3A_46] : memref<4x64x2048xf32, #tpu.memory_space<hbm>> -> memref<1x1x2048xf32, #tpu.memory_space<hbm>>
    %dma_start3A_48 = tpu.memref_squeeze %dma_start3A_47 : memref<1x1x2048xf32, #tpu.memory_space<hbm>> -> memref<2048xf32, #tpu.memory_space<hbm>>
    %dma_start3A_49 = arith.constant 0 : i32
    %dma_start3A_50 = tpu.memref_slice %arg9[%dma_start3A_38, %dma_start3A_49] : memref<4x2048xf32, #tpu.memory_space<vmem>> -> memref<1x2048xf32, #tpu.memory_space<vmem>>
    %dma_start3A_51 = tpu.memref_squeeze %dma_start3A_50 : memref<1x2048xf32, #tpu.memory_space<vmem>> -> memref<2048xf32, #tpu.memory_space<vmem>>
    tpu.enqueue_dma source(%dma_start3A_51 : memref<2048xf32, #tpu.memory_space<vmem>>) target(%dma_start3A_48 : memref<2048xf32, #tpu.memory_space<hbm>>) target_semaphore(%arg12 : memref<!tpu.dma_semaphore, #tpu.memory_space<semaphore_mem>>)
    %dma_start3A_52 = arith.constant 2 : i32
    %dma_start3A_53 = arith.constant 2 : i32
    %dma_start3A_54 = arith.constant 0 : i32
    %dma_start3A_55 = tpu.memref_slice %arg9[%dma_start3A_52, %dma_start3A_54] : memref<4x2048xf32, #tpu.memory_space<vmem>> -> memref<1x2048xf32, #tpu.memory_space<vmem>>
    %dma_start3A_56 = tpu.memref_squeeze %dma_start3A_55 : memref<1x2048xf32, #tpu.memory_space<vmem>> -> memref<2048xf32, #tpu.memory_space<vmem>>
    %dma_start3A_57 = arith.constant 0 : i32
    %dma_start3A_58 = tpu.memref_slice %arg5[%dma_start3A_53, %add3A_2, %dma_start3A_57] : memref<4x64x2048xf32, #tpu.memory_space<hbm>> -> memref<1x1x2048xf32, #tpu.memory_space<hbm>>
    %dma_start3A_59 = tpu.memref_squeeze %dma_start3A_58 : memref<1x1x2048xf32, #tpu.memory_space<hbm>> -> memref<2048xf32, #tpu.memory_space<hbm>>
    %dma_start3A_60 = arith.constant 0 : i32
    %dma_start3A_61 = tpu.memref_slice %arg5[%dma_start3A_53, %add3A_2, %dma_start3A_60] : memref<4x64x2048xf32, #tpu.memory_space<hbm>> -> memref<1x1x2048xf32, #tpu.memory_space<hbm>>
    %dma_start3A_62 = tpu.memref_squeeze %dma_start3A_61 : memref<1x1x2048xf32, #tpu.memory_space<hbm>> -> memref<2048xf32, #tpu.memory_space<hbm>>
    %dma_start3A_63 = arith.constant 0 : i32
    %dma_start3A_64 = tpu.memref_slice %arg9[%dma_start3A_52, %dma_start3A_63] : memref<4x2048xf32, #tpu.memory_space<vmem>> -> memref<1x2048xf32, #tpu.memory_space<vmem>>
    %dma_start3A_65 = tpu.memref_squeeze %dma_start3A_64 : memref<1x2048xf32, #tpu.memory_space<vmem>> -> memref<2048xf32, #tpu.memory_space<vmem>>
    tpu.enqueue_dma source(%dma_start3A_65 : memref<2048xf32, #tpu.memory_space<vmem>>) target(%dma_start3A_62 : memref<2048xf32, #tpu.memory_space<hbm>>) target_semaphore(%arg12 : memref<!tpu.dma_semaphore, #tpu.memory_space<semaphore_mem>>)
    %dma_start3A_66 = arith.constant 3 : i32
    %dma_start3A_67 = arith.constant 3 : i32
    %dma_start3A_68 = arith.constant 0 : i32
    %dma_start3A_69 = tpu.memref_slice %arg9[%dma_start3A_66, %dma_start3A_68] : memref<4x2048xf32, #tpu.memory_space<vmem>> -> memref<1x2048xf32, #tpu.memory_space<vmem>>
    %dma_start3A_70 = tpu.memref_squeeze %dma_start3A_69 : memref<1x2048xf32, #tpu.memory_space<vmem>> -> memref<2048xf32, #tpu.memory_space<vmem>>
    %dma_start3A_71 = arith.constant 0 : i32
    %dma_start3A_72 = tpu.memref_slice %arg5[%dma_start3A_67, %add3A_2, %dma_start3A_71] : memref<4x64x2048xf32, #tpu.memory_space<hbm>> -> memref<1x1x2048xf32, #tpu.memory_space<hbm>>
    %dma_start3A_73 = tpu.memref_squeeze %dma_start3A_72 : memref<1x1x2048xf32, #tpu.memory_space<hbm>> -> memref<2048xf32, #tpu.memory_space<hbm>>
    %dma_start3A_74 = arith.constant 0 : i32
    %dma_start3A_75 = tpu.memref_slice %arg5[%dma_start3A_67, %add3A_2, %dma_start3A_74] : memref<4x64x2048xf32, #tpu.memory_space<hbm>> -> memref<1x1x2048xf32, #tpu.memory_space<hbm>>
    %dma_start3A_76 = tpu.memref_squeeze %dma_start3A_75 : memref<1x1x2048xf32, #tpu.memory_space<hbm>> -> memref<2048xf32, #tpu.memory_space<hbm>>
    %dma_start3A_77 = arith.constant 0 : i32
    %dma_start3A_78 = tpu.memref_slice %arg9[%dma_start3A_66, %dma_start3A_77] : memref<4x2048xf32, #tpu.memory_space<vmem>> -> memref<1x2048xf32, #tpu.memory_space<vmem>>
    %dma_start3A_79 = tpu.memref_squeeze %dma_start3A_78 : memref<1x2048xf32, #tpu.memory_space<vmem>> -> memref<2048xf32, #tpu.memory_space<vmem>>
    tpu.enqueue_dma source(%dma_start3A_79 : memref<2048xf32, #tpu.memory_space<vmem>>) target(%dma_start3A_76 : memref<2048xf32, #tpu.memory_space<hbm>>) target_semaphore(%arg12 : memref<!tpu.dma_semaphore, #tpu.memory_space<semaphore_mem>>)
    %dma_wait3A_80 = arith.constant 0 : i32
    %dma_wait3A_81 = tpu.memref_slice %arg3[%add3A_4, %dma_wait3A_80] : memref<64x100000xf32, #tpu.memory_space<hbm>> -> memref<1x100000xf32, #tpu.memory_space<hbm>>
    %dma_wait3A_82 = tpu.memref_squeeze %dma_wait3A_81 : memref<1x100000xf32, #tpu.memory_space<hbm>> -> memref<100000xf32, #tpu.memory_space<hbm>>
    %dma_wait3A_83 = arith.constant 0 : i32
    %dma_wait3A_84 = tpu.memref_slice %arg3[%add3A_4, %dma_wait3A_83] : memref<64x100000xf32, #tpu.memory_space<hbm>> -> memref<1x100000xf32, #tpu.memory_space<hbm>>
    %dma_wait3A_85 = tpu.memref_squeeze %dma_wait3A_84 : memref<1x100000xf32, #tpu.memory_space<hbm>> -> memref<100000xf32, #tpu.memory_space<hbm>>
    tpu.wait_dma2 semaphore(%arg11 : memref<!tpu.dma_semaphore, #tpu.memory_space<semaphore_mem>>) src(%dma_wait3A_85 : memref<100000xf32, #tpu.memory_space<hbm>>) dst(%arg7 : memref<100000xf32, #tpu.memory_space<vmem>>)
    %parallel_loop3A_86 = arith.constant 0 : i32
    %parallel_loop3A_87 = arith.constant 128 : i32
    %parallel_loop3A_88 = arith.constant 1 : i32
    scf.for %parallel_loop3A_257 = %parallel_loop3A_86 to %parallel_loop3A_87 step %parallel_loop3A_88  : i32 {
      %parallel_loop3A_258 = arith.constant 16 : i32
      %parallel_loop3A_259 = arith.muli %parallel_loop3A_257, %parallel_loop3A_258 : i32
      %parallel_loop3A_260 = arith.constant 8 : i32
      %parallel_loop3A_261 = arith.constant 0 : i32
      %parallel_loop3A_262 = arith.cmpi eq, %parallel_loop3A_260, %parallel_loop3A_261 : i32
      %parallel_loop3A_263 = arith.constant 1 : i32
      %parallel_loop3A_264 = arith.select %parallel_loop3A_262, %parallel_loop3A_263, %parallel_loop3A_260 : i32
      %parallel_loop3A_265 = arith.remsi %parallel_loop3A_257, %parallel_loop3A_264 : i32
      %parallel_loop3A_266 = arith.constant 0 : i32
      %parallel_loop3A_267 = arith.cmpi ne, %parallel_loop3A_265, %parallel_loop3A_266 : i32
      %parallel_loop3A_268 = arith.constant 0 : i32
      %parallel_loop3A_269 = arith.cmpi slt, %parallel_loop3A_265, %parallel_loop3A_268 : i32
      %parallel_loop3A_270 = arith.constant 0 : i32
      %parallel_loop3A_271 = arith.cmpi slt, %parallel_loop3A_264, %parallel_loop3A_270 : i32
      %parallel_loop3A_272 = arith.xori %parallel_loop3A_269, %parallel_loop3A_271 : i1
      %parallel_loop3A_273 = arith.andi %parallel_loop3A_272, %parallel_loop3A_267 : i1
      %parallel_loop3A_274 = arith.addi %parallel_loop3A_265, %parallel_loop3A_264 : i32
      %parallel_loop3A_275 = arith.select %parallel_loop3A_273, %parallel_loop3A_274, %parallel_loop3A_265 : i32
      %parallel_loop3A_276 = arith.constant 16 : i32
      %parallel_loop3A_277 = arith.muli %parallel_loop3A_275, %parallel_loop3A_276 : i32
      %parallel_loop3A_278 = arith.constant 1 : i32
      %parallel_loop3A_279 = arith.index_cast %parallel_loop3A_278 : i32 to index
      %parallel_loop3A_280 = arith.index_cast %parallel_loop3A_259 : i32 to index
      %parallel_loop3A_281 = tpu.vector_load %arg8[%parallel_loop3A_279, %parallel_loop3A_280] {strides = array<i32>} : memref<2x2048xf32, #tpu.memory_space<vmem>>, vector<16xf32>,
      %parallel_loop3A_282 = arith.constant 8 : i32
      %parallel_loop3A_283 = arith.divsi %parallel_loop3A_257, %parallel_loop3A_282 : i32
      %parallel_loop3A_284 = arith.constant 0 : i32
      %parallel_loop3A_285 = arith.cmpi sgt, %parallel_loop3A_257, %parallel_loop3A_284 : i32
      %parallel_loop3A_286 = arith.extui %parallel_loop3A_285 : i1 to i32
      %parallel_loop3A_287 = arith.constant 0 : i32
      %parallel_loop3A_288 = arith.cmpi slt, %parallel_loop3A_257, %parallel_loop3A_287 : i32
      %parallel_loop3A_289 = arith.extui %parallel_loop3A_288 : i1 to i32
      %parallel_loop3A_290 = arith.subi %parallel_loop3A_286, %parallel_loop3A_289 : i32
      %parallel_loop3A_291 = arith.constant 0 : i32
      %parallel_loop3A_292 = arith.cmpi sgt, %parallel_loop3A_282, %parallel_loop3A_291 : i32
      %parallel_loop3A_293 = arith.extui %parallel_loop3A_292 : i1 to i32
      %parallel_loop3A_294 = arith.constant 0 : i32
      %parallel_loop3A_295 = arith.cmpi slt, %parallel_loop3A_282, %parallel_loop3A_294 : i32
      %parallel_loop3A_296 = arith.extui %parallel_loop3A_295 : i1 to i32
      %parallel_loop3A_297 = arith.subi %parallel_loop3A_293, %parallel_loop3A_296 : i32
      %parallel_loop3A_298 = arith.cmpi ne, %parallel_loop3A_290, %parallel_loop3A_297 : i32
      %parallel_loop3A_299 = arith.remsi %parallel_loop3A_257, %parallel_loop3A_282 : i32
      %parallel_loop3A_300 = arith.constant 0 : i32
      %parallel_loop3A_301 = arith.cmpi ne, %parallel_loop3A_299, %parallel_loop3A_300 : i32
      %parallel_loop3A_302 = arith.andi %parallel_loop3A_298, %parallel_loop3A_301 : i1
      %parallel_loop3A_303 = arith.constant 1 : i32
      %parallel_loop3A_304 = arith.subi %parallel_loop3A_283, %parallel_loop3A_303 : i32
      %parallel_loop3A_305 = arith.select %parallel_loop3A_302, %parallel_loop3A_304, %parallel_loop3A_283 : i32
      %parallel_loop3A_306 = arith.constant 4 : i32
      %parallel_loop3A_307 = arith.muli %parallel_loop3A_305, %parallel_loop3A_306 : i32
      %parallel_loop3A_308 = arith.constant 0 : i32
      %parallel_loop3A_309 = arith.addi %parallel_loop3A_307, %parallel_loop3A_308 : i32
      %parallel_loop3A_310 = arith.index_cast %parallel_loop3A_309 : i32 to index
      %parallel_loop3A_311 = arith.index_cast %parallel_loop3A_277 : i32 to index
      %parallel_loop3A_312 = tpu.vector_load %arg6[%parallel_loop3A_310, %parallel_loop3A_311] {strides = array<i32>} : memref<64x128xi32, #tpu.memory_space<vmem>>, vector<16xi32>,
      %parallel_loop3A_313 = tpu.vector_load_idx %arg7[%parallel_loop3A_312] : memref<100000xf32, #tpu.memory_space<vmem>>[vector<16xi32>], vector<16xf32>,
      %parallel_loop3A_314 = arith.addf %parallel_loop3A_313, %parallel_loop3A_281 : vector<16xf32>
      %parallel_loop3A_315 = arith.constant 0 : i32
      %parallel_loop3A_316 = arith.index_cast %parallel_loop3A_315 : i32 to index
      %parallel_loop3A_317 = arith.index_cast %parallel_loop3A_259 : i32 to index
      %parallel_loop3A_318 = tpu.vector_load %arg10[%parallel_loop3A_316, %parallel_loop3A_317] {strides = array<i32>} : memref<4x2048xf32, #tpu.memory_space<vmem>>, vector<16xf32>,
      tpu.vector_store %arg10[%parallel_loop3A_316, %parallel_loop3A_317], %parallel_loop3A_314 {strides = array<i32>} : memref<4x2048xf32, #tpu.memory_space<vmem>>, vector<16xf32>,
      %parallel_loop3A_319 = arith.constant 8 : i32
      %parallel_loop3A_320 = arith.divsi %parallel_loop3A_257, %parallel_loop3A_319 : i32
      %parallel_loop3A_321 = arith.constant 0 : i32
      %parallel_loop3A_322 = arith.cmpi sgt, %parallel_loop3A_257, %parallel_loop3A_321 : i32
      %parallel_loop3A_323 = arith.extui %parallel_loop3A_322 : i1 to i32
      %parallel_loop3A_324 = arith.constant 0 : i32
      %parallel_loop3A_325 = arith.cmpi slt, %parallel_loop3A_257, %parallel_loop3A_324 : i32
      %parallel_loop3A_326 = arith.extui %parallel_loop3A_325 : i1 to i32
      %parallel_loop3A_327 = arith.subi %parallel_loop3A_323, %parallel_loop3A_326 : i32
      %parallel_loop3A_328 = arith.constant 0 : i32
      %parallel_loop3A_329 = arith.cmpi sgt, %parallel_loop3A_319, %parallel_loop3A_328 : i32
      %parallel_loop3A_330 = arith.extui %parallel_loop3A_329 : i1 to i32
      %parallel_loop3A_331 = arith.constant 0 : i32
      %parallel_loop3A_332 = arith.cmpi slt, %parallel_loop3A_319, %parallel_loop3A_331 : i32
      %parallel_loop3A_333 = arith.extui %parallel_loop3A_332 : i1 to i32
      %parallel_loop3A_334 = arith.subi %parallel_loop3A_330, %parallel_loop3A_333 : i32
      %parallel_loop3A_335 = arith.cmpi ne, %parallel_loop3A_327, %parallel_loop3A_334 : i32
      %parallel_loop3A_336 = arith.remsi %parallel_loop3A_257, %parallel_loop3A_319 : i32
      %parallel_loop3A_337 = arith.constant 0 : i32
      %parallel_loop3A_338 = arith.cmpi ne, %parallel_loop3A_336, %parallel_loop3A_337 : i32
      %parallel_loop3A_339 = arith.andi %parallel_loop3A_335, %parallel_loop3A_338 : i1
      %parallel_loop3A_340 = arith.constant 1 : i32
      %parallel_loop3A_341 = arith.subi %parallel_loop3A_320, %parallel_loop3A_340 : i32
      %parallel_loop3A_342 = arith.select %parallel_loop3A_339, %parallel_loop3A_341, %parallel_loop3A_320 : i32
      %parallel_loop3A_343 = arith.constant 4 : i32
      %parallel_loop3A_344 = arith.muli %parallel_loop3A_342, %parallel_loop3A_343 : i32
      %parallel_loop3A_345 = arith.constant 1 : i32
      %parallel_loop3A_346 = arith.addi %parallel_loop3A_344, %parallel_loop3A_345 : i32
      %parallel_loop3A_347 = arith.index_cast %parallel_loop3A_346 : i32 to index
      %parallel_loop3A_348 = arith.index_cast %parallel_loop3A_277 : i32 to index
      %parallel_loop3A_349 = tpu.vector_load %arg6[%parallel_loop3A_347, %parallel_loop3A_348] {strides = array<i32>} : memref<64x128xi32, #tpu.memory_space<vmem>>, vector<16xi32>,
      %parallel_loop3A_350 = tpu.vector_load_idx %arg7[%parallel_loop3A_349] : memref<100000xf32, #tpu.memory_space<vmem>>[vector<16xi32>], vector<16xf32>,
      %parallel_loop3A_351 = arith.addf %parallel_loop3A_350, %parallel_loop3A_281 : vector<16xf32>
      %parallel_loop3A_352 = arith.constant 1 : i32
      %parallel_loop3A_353 = arith.index_cast %parallel_loop3A_352 : i32 to index
      %parallel_loop3A_354 = arith.index_cast %parallel_loop3A_259 : i32 to index
      %parallel_loop3A_355 = tpu.vector_load %arg10[%parallel_loop3A_353, %parallel_loop3A_354] {strides = array<i32>} : memref<4x2048xf32, #tpu.memory_space<vmem>>, vector<16xf32>,
      tpu.vector_store %arg10[%parallel_loop3A_353, %parallel_loop3A_354], %parallel_loop3A_351 {strides = array<i32>} : memref<4x2048xf32, #tpu.memory_space<vmem>>, vector<16xf32>,
      %parallel_loop3A_356 = arith.constant 8 : i32
      %parallel_loop3A_357 = arith.divsi %parallel_loop3A_257, %parallel_loop3A_356 : i32
      %parallel_loop3A_358 = arith.constant 0 : i32
      %parallel_loop3A_359 = arith.cmpi sgt, %parallel_loop3A_257, %parallel_loop3A_358 : i32
      %parallel_loop3A_360 = arith.extui %parallel_loop3A_359 : i1 to i32
      %parallel_loop3A_361 = arith.constant 0 : i32
      %parallel_loop3A_362 = arith.cmpi slt, %parallel_loop3A_257, %parallel_loop3A_361 : i32
      %parallel_loop3A_363 = arith.extui %parallel_loop3A_362 : i1 to i32
      %parallel_loop3A_364 = arith.subi %parallel_loop3A_360, %parallel_loop3A_363 : i32
      %parallel_loop3A_365 = arith.constant 0 : i32
      %parallel_loop3A_366 = arith.cmpi sgt, %parallel_loop3A_356, %parallel_loop3A_365 : i32
      %parallel_loop3A_367 = arith.extui %parallel_loop3A_366 : i1 to i32
      %parallel_loop3A_368 = arith.constant 0 : i32
      %parallel_loop3A_369 = arith.cmpi slt, %parallel_loop3A_356, %parallel_loop3A_368 : i32
      %parallel_loop3A_370 = arith.extui %parallel_loop3A_369 : i1 to i32
      %parallel_loop3A_371 = arith.subi %parallel_loop3A_367, %parallel_loop3A_370 : i32
      %parallel_loop3A_372 = arith.cmpi ne, %parallel_loop3A_364, %parallel_loop3A_371 : i32
      %parallel_loop3A_373 = arith.remsi %parallel_loop3A_257, %parallel_loop3A_356 : i32
      %parallel_loop3A_374 = arith.constant 0 : i32
      %parallel_loop3A_375 = arith.cmpi ne, %parallel_loop3A_373, %parallel_loop3A_374 : i32
      %parallel_loop3A_376 = arith.andi %parallel_loop3A_372, %parallel_loop3A_375 : i1
      %parallel_loop3A_377 = arith.constant 1 : i32
      %parallel_loop3A_378 = arith.subi %parallel_loop3A_357, %parallel_loop3A_377 : i32
      %parallel_loop3A_379 = arith.select %parallel_loop3A_376, %parallel_loop3A_378, %parallel_loop3A_357 : i32
      %parallel_loop3A_380 = arith.constant 4 : i32
      %parallel_loop3A_381 = arith.muli %parallel_loop3A_379, %parallel_loop3A_380 : i32
      %parallel_loop3A_382 = arith.constant 2 : i32
      %parallel_loop3A_383 = arith.addi %parallel_loop3A_381, %parallel_loop3A_382 : i32
      %parallel_loop3A_384 = arith.index_cast %parallel_loop3A_383 : i32 to index
      %parallel_loop3A_385 = arith.index_cast %parallel_loop3A_277 : i32 to index
      %parallel_loop3A_386 = tpu.vector_load %arg6[%parallel_loop3A_384, %parallel_loop3A_385] {strides = array<i32>} : memref<64x128xi32, #tpu.memory_space<vmem>>, vector<16xi32>,
      %parallel_loop3A_387 = tpu.vector_load_idx %arg7[%parallel_loop3A_386] : memref<100000xf32, #tpu.memory_space<vmem>>[vector<16xi32>], vector<16xf32>,
      %parallel_loop3A_388 = arith.addf %parallel_loop3A_387, %parallel_loop3A_281 : vector<16xf32>
      %parallel_loop3A_389 = arith.constant 2 : i32
      %parallel_loop3A_390 = arith.index_cast %parallel_loop3A_389 : i32 to index
      %parallel_loop3A_391 = arith.index_cast %parallel_loop3A_259 : i32 to index
      %parallel_loop3A_392 = tpu.vector_load %arg10[%parallel_loop3A_390, %parallel_loop3A_391] {strides = array<i32>} : memref<4x2048xf32, #tpu.memory_space<vmem>>, vector<16xf32>,
      tpu.vector_store %arg10[%parallel_loop3A_390, %parallel_loop3A_391], %parallel_loop3A_388 {strides = array<i32>} : memref<4x2048xf32, #tpu.memory_space<vmem>>, vector<16xf32>,
      %parallel_loop3A_393 = arith.constant 8 : i32
      %parallel_loop3A_394 = arith.divsi %parallel_loop3A_257, %parallel_loop3A_393 : i32
      %parallel_loop3A_395 = arith.constant 0 : i32
      %parallel_loop3A_396 = arith.cmpi sgt, %parallel_loop3A_257, %parallel_loop3A_395 : i32
      %parallel_loop3A_397 = arith.extui %parallel_loop3A_396 : i1 to i32
      %parallel_loop3A_398 = arith.constant 0 : i32
      %parallel_loop3A_399 = arith.cmpi slt, %parallel_loop3A_257, %parallel_loop3A_398 : i32
      %parallel_loop3A_400 = arith.extui %parallel_loop3A_399 : i1 to i32
      %parallel_loop3A_401 = arith.subi %parallel_loop3A_397, %parallel_loop3A_400 : i32
      %parallel_loop3A_402 = arith.constant 0 : i32
      %parallel_loop3A_403 = arith.cmpi sgt, %parallel_loop3A_393, %parallel_loop3A_402 : i32
      %parallel_loop3A_404 = arith.extui %parallel_loop3A_403 : i1 to i32
      %parallel_loop3A_405 = arith.constant 0 : i32
      %parallel_loop3A_406 = arith.cmpi slt, %parallel_loop3A_393, %parallel_loop3A_405 : i32
      %parallel_loop3A_407 = arith.extui %parallel_loop3A_406 : i1 to i32
      %parallel_loop3A_408 = arith.subi %parallel_loop3A_404, %parallel_loop3A_407 : i32
      %parallel_loop3A_409 = arith.cmpi ne, %parallel_loop3A_401, %parallel_loop3A_408 : i32
      %parallel_loop3A_410 = arith.remsi %parallel_loop3A_257, %parallel_loop3A_393 : i32
      %parallel_loop3A_411 = arith.constant 0 : i32
      %parallel_loop3A_412 = arith.cmpi ne, %parallel_loop3A_410, %parallel_loop3A_411 : i32
      %parallel_loop3A_413 = arith.andi %parallel_loop3A_409, %parallel_loop3A_412 : i1
      %parallel_loop3A_414 = arith.constant 1 : i32
      %parallel_loop3A_415 = arith.subi %parallel_loop3A_394, %parallel_loop3A_414 : i32
      %parallel_loop3A_416 = arith.select %parallel_loop3A_413, %parallel_loop3A_415, %parallel_loop3A_394 : i32
      %parallel_loop3A_417 = arith.constant 4 : i32
      %parallel_loop3A_418 = arith.muli %parallel_loop3A_416, %parallel_loop3A_417 : i32
      %parallel_loop3A_419 = arith.constant 3 : i32
      %parallel_loop3A_420 = arith.addi %parallel_loop3A_418, %parallel_loop3A_419 : i32
      %parallel_loop3A_421 = arith.index_cast %parallel_loop3A_420 : i32 to index
      %parallel_loop3A_422 = arith.index_cast %parallel_loop3A_277 : i32 to index
      %parallel_loop3A_423 = tpu.vector_load %arg6[%parallel_loop3A_421, %parallel_loop3A_422] {strides = array<i32>} : memref<64x128xi32, #tpu.memory_space<vmem>>, vector<16xi32>,
      %parallel_loop3A_424 = tpu.vector_load_idx %arg7[%parallel_loop3A_423] : memref<100000xf32, #tpu.memory_space<vmem>>[vector<16xi32>], vector<16xf32>,
      %parallel_loop3A_425 = arith.addf %parallel_loop3A_424, %parallel_loop3A_281 : vector<16xf32>
      %parallel_loop3A_426 = arith.constant 3 : i32
      %parallel_loop3A_427 = arith.index_cast %parallel_loop3A_426 : i32 to index
      %parallel_loop3A_428 = arith.index_cast %parallel_loop3A_259 : i32 to index
      %parallel_loop3A_429 = tpu.vector_load %arg10[%parallel_loop3A_427, %parallel_loop3A_428] {strides = array<i32>} : memref<4x2048xf32, #tpu.memory_space<vmem>>, vector<16xf32>,
      tpu.vector_store %arg10[%parallel_loop3A_427, %parallel_loop3A_428], %parallel_loop3A_425 {strides = array<i32>} : memref<4x2048xf32, #tpu.memory_space<vmem>>, vector<16xf32>,
    } {sc.loop_unroll_factor = 4 : i64, sc.parallel_access}
    %dma_start3A_89 = arith.constant 0 : i32
    %dma_start3A_90 = arith.constant 0 : i32
    %dma_start3A_91 = arith.constant 0 : i32
    %dma_start3A_92 = tpu.memref_slice %arg10[%dma_start3A_89, %dma_start3A_91] : memref<4x2048xf32, #tpu.memory_space<vmem>> -> memref<1x2048xf32, #tpu.memory_space<vmem>>
    %dma_start3A_93 = tpu.memref_squeeze %dma_start3A_92 : memref<1x2048xf32, #tpu.memory_space<vmem>> -> memref<2048xf32, #tpu.memory_space<vmem>>
    %dma_start3A_94 = arith.constant 0 : i32
    %dma_start3A_95 = tpu.memref_slice %arg5[%dma_start3A_90, %add3A_4, %dma_start3A_94] : memref<4x64x2048xf32, #tpu.memory_space<hbm>> -> memref<1x1x2048xf32, #tpu.memory_space<hbm>>
    %dma_start3A_96 = tpu.memref_squeeze %dma_start3A_95 : memref<1x1x2048xf32, #tpu.memory_space<hbm>> -> memref<2048xf32, #tpu.memory_space<hbm>>
    %dma_start3A_97 = arith.constant 0 : i32
    %dma_start3A_98 = tpu.memref_slice %arg5[%dma_start3A_90, %add3A_4, %dma_start3A_97] : memref<4x64x2048xf32, #tpu.memory_space<hbm>> -> memref<1x1x2048xf32, #tpu.memory_space<hbm>>
    %dma_start3A_99 = tpu.memref_squeeze %dma_start3A_98 : memref<1x1x2048xf32, #tpu.memory_space<hbm>> -> memref<2048xf32, #tpu.memory_space<hbm>>
    %dma_start3A_100 = arith.constant 0 : i32
    %dma_start3A_101 = tpu.memref_slice %arg10[%dma_start3A_89, %dma_start3A_100] : memref<4x2048xf32, #tpu.memory_space<vmem>> -> memref<1x2048xf32, #tpu.memory_space<vmem>>
    %dma_start3A_102 = tpu.memref_squeeze %dma_start3A_101 : memref<1x2048xf32, #tpu.memory_space<vmem>> -> memref<2048xf32, #tpu.memory_space<vmem>>
    tpu.enqueue_dma source(%dma_start3A_102 : memref<2048xf32, #tpu.memory_space<vmem>>) target(%dma_start3A_99 : memref<2048xf32, #tpu.memory_space<hbm>>) target_semaphore(%arg12 : memref<!tpu.dma_semaphore, #tpu.memory_space<semaphore_mem>>)
    %dma_start3A_103 = arith.constant 1 : i32
    %dma_start3A_104 = arith.constant 1 : i32
    %dma_start3A_105 = arith.constant 0 : i32
    %dma_start3A_106 = tpu.memref_slice %arg10[%dma_start3A_103, %dma_start3A_105] : memref<4x2048xf32, #tpu.memory_space<vmem>> -> memref<1x2048xf32, #tpu.memory_space<vmem>>
    %dma_start3A_107 = tpu.memref_squeeze %dma_start3A_106 : memref<1x2048xf32, #tpu.memory_space<vmem>> -> memref<2048xf32, #tpu.memory_space<vmem>>
    %dma_start3A_108 = arith.constant 0 : i32
    %dma_start3A_109 = tpu.memref_slice %arg5[%dma_start3A_104, %add3A_4, %dma_start3A_108] : memref<4x64x2048xf32, #tpu.memory_space<hbm>> -> memref<1x1x2048xf32, #tpu.memory_space<hbm>>
    %dma_start3A_110 = tpu.memref_squeeze %dma_start3A_109 : memref<1x1x2048xf32, #tpu.memory_space<hbm>> -> memref<2048xf32, #tpu.memory_space<hbm>>
    %dma_start3A_111 = arith.constant 0 : i32
    %dma_start3A_112 = tpu.memref_slice %arg5[%dma_start3A_104, %add3A_4, %dma_start3A_111] : memref<4x64x2048xf32, #tpu.memory_space<hbm>> -> memref<1x1x2048xf32, #tpu.memory_space<hbm>>
    %dma_start3A_113 = tpu.memref_squeeze %dma_start3A_112 : memref<1x1x2048xf32, #tpu.memory_space<hbm>> -> memref<2048xf32, #tpu.memory_space<hbm>>
    %dma_start3A_114 = arith.constant 0 : i32
    %dma_start3A_115 = tpu.memref_slice %arg10[%dma_start3A_103, %dma_start3A_114] : memref<4x2048xf32, #tpu.memory_space<vmem>> -> memref<1x2048xf32, #tpu.memory_space<vmem>>
    %dma_start3A_116 = tpu.memref_squeeze %dma_start3A_115 : memref<1x2048xf32, #tpu.memory_space<vmem>> -> memref<2048xf32, #tpu.memory_space<vmem>>
    tpu.enqueue_dma source(%dma_start3A_116 : memref<2048xf32, #tpu.memory_space<vmem>>) target(%dma_start3A_113 : memref<2048xf32, #tpu.memory_space<hbm>>) target_semaphore(%arg12 : memref<!tpu.dma_semaphore, #tpu.memory_space<semaphore_mem>>)
    %dma_start3A_117 = arith.constant 2 : i32
    %dma_start3A_118 = arith.constant 2 : i32
    %dma_start3A_119 = arith.constant 0 : i32
    %dma_start3A_120 = tpu.memref_slice %arg10[%dma_start3A_117, %dma_start3A_119] : memref<4x2048xf32, #tpu.memory_space<vmem>> -> memref<1x2048xf32, #tpu.memory_space<vmem>>
    %dma_start3A_121 = tpu.memref_squeeze %dma_start3A_120 : memref<1x2048xf32, #tpu.memory_space<vmem>> -> memref<2048xf32, #tpu.memory_space<vmem>>
    %dma_start3A_122 = arith.constant 0 : i32
    %dma_start3A_123 = tpu.memref_slice %arg5[%dma_start3A_118, %add3A_4, %dma_start3A_122] : memref<4x64x2048xf32, #tpu.memory_space<hbm>> -> memref<1x1x2048xf32, #tpu.memory_space<hbm>>
    %dma_start3A_124 = tpu.memref_squeeze %dma_start3A_123 : memref<1x1x2048xf32, #tpu.memory_space<hbm>> -> memref<2048xf32, #tpu.memory_space<hbm>>
    %dma_start3A_125 = arith.constant 0 : i32
    %dma_start3A_126 = tpu.memref_slice %arg5[%dma_start3A_118, %add3A_4, %dma_start3A_125] : memref<4x64x2048xf32, #tpu.memory_space<hbm>> -> memref<1x1x2048xf32, #tpu.memory_space<hbm>>
    %dma_start3A_127 = tpu.memref_squeeze %dma_start3A_126 : memref<1x1x2048xf32, #tpu.memory_space<hbm>> -> memref<2048xf32, #tpu.memory_space<hbm>>
    %dma_start3A_128 = arith.constant 0 : i32
    %dma_start3A_129 = tpu.memref_slice %arg10[%dma_start3A_117, %dma_start3A_128] : memref<4x2048xf32, #tpu.memory_space<vmem>> -> memref<1x2048xf32, #tpu.memory_space<vmem>>
    %dma_start3A_130 = tpu.memref_squeeze %dma_start3A_129 : memref<1x2048xf32, #tpu.memory_space<vmem>> -> memref<2048xf32, #tpu.memory_space<vmem>>
    tpu.enqueue_dma source(%dma_start3A_130 : memref<2048xf32, #tpu.memory_space<vmem>>) target(%dma_start3A_127 : memref<2048xf32, #tpu.memory_space<hbm>>) target_semaphore(%arg12 : memref<!tpu.dma_semaphore, #tpu.memory_space<semaphore_mem>>)
    %dma_start3A_131 = arith.constant 3 : i32
    %dma_start3A_132 = arith.constant 3 : i32
    %dma_start3A_133 = arith.constant 0 : i32
    %dma_start3A_134 = tpu.memref_slice %arg10[%dma_start3A_131, %dma_start3A_133] : memref<4x2048xf32, #tpu.memory_space<vmem>> -> memref<1x2048xf32, #tpu.memory_space<vmem>>
    %dma_start3A_135 = tpu.memref_squeeze %dma_start3A_134 : memref<1x2048xf32, #tpu.memory_space<vmem>> -> memref<2048xf32, #tpu.memory_space<vmem>>
    %dma_start3A_136 = arith.constant 0 : i32
    %dma_start3A_137 = tpu.memref_slice %arg5[%dma_start3A_132, %add3A_4, %dma_start3A_136] : memref<4x64x2048xf32, #tpu.memory_space<hbm>> -> memref<1x1x2048xf32, #tpu.memory_space<hbm>>
    %dma_start3A_138 = tpu.memref_squeeze %dma_start3A_137 : memref<1x1x2048xf32, #tpu.memory_space<hbm>> -> memref<2048xf32, #tpu.memory_space<hbm>>
    %dma_start3A_139 = arith.constant 0 : i32
    %dma_start3A_140 = tpu.memref_slice %arg5[%dma_start3A_132, %add3A_4, %dma_start3A_139] : memref<4x64x2048xf32, #tpu.memory_space<hbm>> -> memref<1x1x2048xf32, #tpu.memory_space<hbm>>
    %dma_start3A_141 = tpu.memref_squeeze %dma_start3A_140 : memref<1x1x2048xf32, #tpu.memory_space<hbm>> -> memref<2048xf32, #tpu.memory_space<hbm>>
    %dma_start3A_142 = arith.constant 0 : i32
    %dma_start3A_143 = tpu.memref_slice %arg10[%dma_start3A_131, %dma_start3A_142] : memref<4x2048xf32, #tpu.memory_space<vmem>> -> memref<1x2048xf32, #tpu.memory_space<vmem>>
    %dma_start3A_144 = tpu.memref_squeeze %dma_start3A_143 : memref<1x2048xf32, #tpu.memory_space<vmem>> -> memref<2048xf32, #tpu.memory_space<vmem>>
    tpu.enqueue_dma source(%dma_start3A_144 : memref<2048xf32, #tpu.memory_space<vmem>>) target(%dma_start3A_141 : memref<2048xf32, #tpu.memory_space<hbm>>) target_semaphore(%arg12 : memref<!tpu.dma_semaphore, #tpu.memory_space<semaphore_mem>>)
    %dma_wait3A_145 = arith.constant 0 : i32
    %dma_wait3A_146 = arith.constant 0 : i32
    %dma_wait3A_147 = arith.constant 0 : i32
    %dma_wait3A_148 = tpu.memref_slice %arg9[%dma_wait3A_145, %dma_wait3A_147] : memref<4x2048xf32, #tpu.memory_space<vmem>> -> memref<1x2048xf32, #tpu.memory_space<vmem>>
    %dma_wait3A_149 = tpu.memref_squeeze %dma_wait3A_148 : memref<1x2048xf32, #tpu.memory_space<vmem>> -> memref<2048xf32, #tpu.memory_space<vmem>>
    %dma_wait3A_150 = arith.constant 0 : i32
    %dma_wait3A_151 = tpu.memref_slice %arg5[%dma_wait3A_146, %add3A_2, %dma_wait3A_150] : memref<4x64x2048xf32, #tpu.memory_space<hbm>> -> memref<1x1x2048xf32, #tpu.memory_space<hbm>>
    %dma_wait3A_152 = tpu.memref_squeeze %dma_wait3A_151 : memref<1x1x2048xf32, #tpu.memory_space<hbm>> -> memref<2048xf32, #tpu.memory_space<hbm>>
    %dma_wait3A_153 = arith.constant 0 : i32
    %dma_wait3A_154 = tpu.memref_slice %arg5[%dma_wait3A_146, %add3A_2, %dma_wait3A_153] : memref<4x64x2048xf32, #tpu.memory_space<hbm>> -> memref<1x1x2048xf32, #tpu.memory_space<hbm>>
    %dma_wait3A_155 = tpu.memref_squeeze %dma_wait3A_154 : memref<1x1x2048xf32, #tpu.memory_space<hbm>> -> memref<2048xf32, #tpu.memory_space<hbm>>
    %dma_wait3A_156 = arith.constant 0 : i32
    %dma_wait3A_157 = tpu.memref_slice %arg9[%dma_wait3A_145, %dma_wait3A_156] : memref<4x2048xf32, #tpu.memory_space<vmem>> -> memref<1x2048xf32, #tpu.memory_space<vmem>>
    %dma_wait3A_158 = tpu.memref_squeeze %dma_wait3A_157 : memref<1x2048xf32, #tpu.memory_space<vmem>> -> memref<2048xf32, #tpu.memory_space<vmem>>
    tpu.wait_dma2 semaphore(%arg12 : memref<!tpu.dma_semaphore, #tpu.memory_space<semaphore_mem>>) src(%dma_wait3A_158 : memref<2048xf32, #tpu.memory_space<vmem>>) dst(%dma_wait3A_155 : memref<2048xf32, #tpu.memory_space<hbm>>)
    %dma_wait3A_159 = arith.constant 1 : i32
    %dma_wait3A_160 = arith.constant 1 : i32
    %dma_wait3A_161 = arith.constant 0 : i32
    %dma_wait3A_162 = tpu.memref_slice %arg9[%dma_wait3A_159, %dma_wait3A_161] : memref<4x2048xf32, #tpu.memory_space<vmem>> -> memref<1x2048xf32, #tpu.memory_space<vmem>>
    %dma_wait3A_163 = tpu.memref_squeeze %dma_wait3A_162 : memref<1x2048xf32, #tpu.memory_space<vmem>> -> memref<2048xf32, #tpu.memory_space<vmem>>
    %dma_wait3A_164 = arith.constant 0 : i32
    %dma_wait3A_165 = tpu.memref_slice %arg5[%dma_wait3A_160, %add3A_2, %dma_wait3A_164] : memref<4x64x2048xf32, #tpu.memory_space<hbm>> -> memref<1x1x2048xf32, #tpu.memory_space<hbm>>
    %dma_wait3A_166 = tpu.memref_squeeze %dma_wait3A_165 : memref<1x1x2048xf32, #tpu.memory_space<hbm>> -> memref<2048xf32, #tpu.memory_space<hbm>>
    %dma_wait3A_167 = arith.constant 0 : i32
    %dma_wait3A_168 = tpu.memref_slice %arg5[%dma_wait3A_160, %add3A_2, %dma_wait3A_167] : memref<4x64x2048xf32, #tpu.memory_space<hbm>> -> memref<1x1x2048xf32, #tpu.memory_space<hbm>>
    %dma_wait3A_169 = tpu.memref_squeeze %dma_wait3A_168 : memref<1x1x2048xf32, #tpu.memory_space<hbm>> -> memref<2048xf32, #tpu.memory_space<hbm>>
    %dma_wait3A_170 = arith.constant 0 : i32
    %dma_wait3A_171 = tpu.memref_slice %arg9[%dma_wait3A_159, %dma_wait3A_170] : memref<4x2048xf32, #tpu.memory_space<vmem>> -> memref<1x2048xf32, #tpu.memory_space<vmem>>
    %dma_wait3A_172 = tpu.memref_squeeze %dma_wait3A_171 : memref<1x2048xf32, #tpu.memory_space<vmem>> -> memref<2048xf32, #tpu.memory_space<vmem>>
    tpu.wait_dma2 semaphore(%arg12 : memref<!tpu.dma_semaphore, #tpu.memory_space<semaphore_mem>>) src(%dma_wait3A_172 : memref<2048xf32, #tpu.memory_space<vmem>>) dst(%dma_wait3A_169 : memref<2048xf32, #tpu.memory_space<hbm>>)
    %dma_wait3A_173 = arith.constant 2 : i32
    %dma_wait3A_174 = arith.constant 2 : i32
    %dma_wait3A_175 = arith.constant 0 : i32
    %dma_wait3A_176 = tpu.memref_slice %arg9[%dma_wait3A_173, %dma_wait3A_175] : memref<4x2048xf32, #tpu.memory_space<vmem>> -> memref<1x2048xf32, #tpu.memory_space<vmem>>
    %dma_wait3A_177 = tpu.memref_squeeze %dma_wait3A_176 : memref<1x2048xf32, #tpu.memory_space<vmem>> -> memref<2048xf32, #tpu.memory_space<vmem>>
    %dma_wait3A_178 = arith.constant 0 : i32
    %dma_wait3A_179 = tpu.memref_slice %arg5[%dma_wait3A_174, %add3A_2, %dma_wait3A_178] : memref<4x64x2048xf32, #tpu.memory_space<hbm>> -> memref<1x1x2048xf32, #tpu.memory_space<hbm>>
    %dma_wait3A_180 = tpu.memref_squeeze %dma_wait3A_179 : memref<1x1x2048xf32, #tpu.memory_space<hbm>> -> memref<2048xf32, #tpu.memory_space<hbm>>
    %dma_wait3A_181 = arith.constant 0 : i32
    %dma_wait3A_182 = tpu.memref_slice %arg5[%dma_wait3A_174, %add3A_2, %dma_wait3A_181] : memref<4x64x2048xf32, #tpu.memory_space<hbm>> -> memref<1x1x2048xf32, #tpu.memory_space<hbm>>
    %dma_wait3A_183 = tpu.memref_squeeze %dma_wait3A_182 : memref<1x1x2048xf32, #tpu.memory_space<hbm>> -> memref<2048xf32, #tpu.memory_space<hbm>>
    %dma_wait3A_184 = arith.constant 0 : i32
    %dma_wait3A_185 = tpu.memref_slice %arg9[%dma_wait3A_173, %dma_wait3A_184] : memref<4x2048xf32, #tpu.memory_space<vmem>> -> memref<1x2048xf32, #tpu.memory_space<vmem>>
    %dma_wait3A_186 = tpu.memref_squeeze %dma_wait3A_185 : memref<1x2048xf32, #tpu.memory_space<vmem>> -> memref<2048xf32, #tpu.memory_space<vmem>>
    tpu.wait_dma2 semaphore(%arg12 : memref<!tpu.dma_semaphore, #tpu.memory_space<semaphore_mem>>) src(%dma_wait3A_186 : memref<2048xf32, #tpu.memory_space<vmem>>) dst(%dma_wait3A_183 : memref<2048xf32, #tpu.memory_space<hbm>>)
    %dma_wait3A_187 = arith.constant 3 : i32
    %dma_wait3A_188 = arith.constant 3 : i32
    %dma_wait3A_189 = arith.constant 0 : i32
    %dma_wait3A_190 = tpu.memref_slice %arg9[%dma_wait3A_187, %dma_wait3A_189] : memref<4x2048xf32, #tpu.memory_space<vmem>> -> memref<1x2048xf32, #tpu.memory_space<vmem>>
    %dma_wait3A_191 = tpu.memref_squeeze %dma_wait3A_190 : memref<1x2048xf32, #tpu.memory_space<vmem>> -> memref<2048xf32, #tpu.memory_space<vmem>>
    %dma_wait3A_192 = arith.constant 0 : i32
    %dma_wait3A_193 = tpu.memref_slice %arg5[%dma_wait3A_188, %add3A_2, %dma_wait3A_192] : memref<4x64x2048xf32, #tpu.memory_space<hbm>> -> memref<1x1x2048xf32, #tpu.memory_space<hbm>>
    %dma_wait3A_194 = tpu.memref_squeeze %dma_wait3A_193 : memref<1x1x2048xf32, #tpu.memory_space<hbm>> -> memref<2048xf32, #tpu.memory_space<hbm>>
    %dma_wait3A_195 = arith.constant 0 : i32
    %dma_wait3A_196 = tpu.memref_slice %arg5[%dma_wait3A_188, %add3A_2, %dma_wait3A_195] : memref<4x64x2048xf32, #tpu.memory_space<hbm>> -> memref<1x1x2048xf32, #tpu.memory_space<hbm>>
    %dma_wait3A_197 = tpu.memref_squeeze %dma_wait3A_196 : memref<1x1x2048xf32, #tpu.memory_space<hbm>> -> memref<2048xf32, #tpu.memory_space<hbm>>
    %dma_wait3A_198 = arith.constant 0 : i32
    %dma_wait3A_199 = tpu.memref_slice %arg9[%dma_wait3A_187, %dma_wait3A_198] : memref<4x2048xf32, #tpu.memory_space<vmem>> -> memref<1x2048xf32, #tpu.memory_space<vmem>>
    %dma_wait3A_200 = tpu.memref_squeeze %dma_wait3A_199 : memref<1x2048xf32, #tpu.memory_space<vmem>> -> memref<2048xf32, #tpu.memory_space<vmem>>
    tpu.wait_dma2 semaphore(%arg12 : memref<!tpu.dma_semaphore, #tpu.memory_space<semaphore_mem>>) src(%dma_wait3A_200 : memref<2048xf32, #tpu.memory_space<vmem>>) dst(%dma_wait3A_197 : memref<2048xf32, #tpu.memory_space<hbm>>)
    %dma_wait3A_201 = arith.constant 0 : i32
    %dma_wait3A_202 = arith.constant 0 : i32
    %dma_wait3A_203 = arith.constant 0 : i32
    %dma_wait3A_204 = tpu.memref_slice %arg10[%dma_wait3A_201, %dma_wait3A_203] : memref<4x2048xf32, #tpu.memory_space<vmem>> -> memref<1x2048xf32, #tpu.memory_space<vmem>>
    %dma_wait3A_205 = tpu.memref_squeeze %dma_wait3A_204 : memref<1x2048xf32, #tpu.memory_space<vmem>> -> memref<2048xf32, #tpu.memory_space<vmem>>
    %dma_wait3A_206 = arith.constant 0 : i32
    %dma_wait3A_207 = tpu.memref_slice %arg5[%dma_wait3A_202, %add3A_4, %dma_wait3A_206] : memref<4x64x2048xf32, #tpu.memory_space<hbm>> -> memref<1x1x2048xf32, #tpu.memory_space<hbm>>
    %dma_wait3A_208 = tpu.memref_squeeze %dma_wait3A_207 : memref<1x1x2048xf32, #tpu.memory_space<hbm>> -> memref<2048xf32, #tpu.memory_space<hbm>>
    %dma_wait3A_209 = arith.constant 0 : i32
    %dma_wait3A_210 = tpu.memref_slice %arg5[%dma_wait3A_202, %add3A_4, %dma_wait3A_209] : memref<4x64x2048xf32, #tpu.memory_space<hbm>> -> memref<1x1x2048xf32, #tpu.memory_space<hbm>>
    %dma_wait3A_211 = tpu.memref_squeeze %dma_wait3A_210 : memref<1x1x2048xf32, #tpu.memory_space<hbm>> -> memref<2048xf32, #tpu.memory_space<hbm>>
    %dma_wait3A_212 = arith.constant 0 : i32
    %dma_wait3A_213 = tpu.memref_slice %arg10[%dma_wait3A_201, %dma_wait3A_212] : memref<4x2048xf32, #tpu.memory_space<vmem>> -> memref<1x2048xf32, #tpu.memory_space<vmem>>
    %dma_wait3A_214 = tpu.memref_squeeze %dma_wait3A_213 : memref<1x2048xf32, #tpu.memory_space<vmem>> -> memref<2048xf32, #tpu.memory_space<vmem>>
    tpu.wait_dma2 semaphore(%arg12 : memref<!tpu.dma_semaphore, #tpu.memory_space<semaphore_mem>>) src(%dma_wait3A_214 : memref<2048xf32, #tpu.memory_space<vmem>>) dst(%dma_wait3A_211 : memref<2048xf32, #tpu.memory_space<hbm>>)
    %dma_wait3A_215 = arith.constant 1 : i32
    %dma_wait3A_216 = arith.constant 1 : i32
    %dma_wait3A_217 = arith.constant 0 : i32
    %dma_wait3A_218 = tpu.memref_slice %arg10[%dma_wait3A_215, %dma_wait3A_217] : memref<4x2048xf32, #tpu.memory_space<vmem>> -> memref<1x2048xf32, #tpu.memory_space<vmem>>
    %dma_wait3A_219 = tpu.memref_squeeze %dma_wait3A_218 : memref<1x2048xf32, #tpu.memory_space<vmem>> -> memref<2048xf32, #tpu.memory_space<vmem>>
    %dma_wait3A_220 = arith.constant 0 : i32
    %dma_wait3A_221 = tpu.memref_slice %arg5[%dma_wait3A_216, %add3A_4, %dma_wait3A_220] : memref<4x64x2048xf32, #tpu.memory_space<hbm>> -> memref<1x1x2048xf32, #tpu.memory_space<hbm>>
    %dma_wait3A_222 = tpu.memref_squeeze %dma_wait3A_221 : memref<1x1x2048xf32, #tpu.memory_space<hbm>> -> memref<2048xf32, #tpu.memory_space<hbm>>
    %dma_wait3A_223 = arith.constant 0 : i32
    %dma_wait3A_224 = tpu.memref_slice %arg5[%dma_wait3A_216, %add3A_4, %dma_wait3A_223] : memref<4x64x2048xf32, #tpu.memory_space<hbm>> -> memref<1x1x2048xf32, #tpu.memory_space<hbm>>
    %dma_wait3A_225 = tpu.memref_squeeze %dma_wait3A_224 : memref<1x1x2048xf32, #tpu.memory_space<hbm>> -> memref<2048xf32, #tpu.memory_space<hbm>>
    %dma_wait3A_226 = arith.constant 0 : i32
    %dma_wait3A_227 = tpu.memref_slice %arg10[%dma_wait3A_215, %dma_wait3A_226] : memref<4x2048xf32, #tpu.memory_space<vmem>> -> memref<1x2048xf32, #tpu.memory_space<vmem>>
    %dma_wait3A_228 = tpu.memref_squeeze %dma_wait3A_227 : memref<1x2048xf32, #tpu.memory_space<vmem>> -> memref<2048xf32, #tpu.memory_space<vmem>>
    tpu.wait_dma2 semaphore(%arg12 : memref<!tpu.dma_semaphore, #tpu.memory_space<semaphore_mem>>) src(%dma_wait3A_228 : memref<2048xf32, #tpu.memory_space<vmem>>) dst(%dma_wait3A_225 : memref<2048xf32, #tpu.memory_space<hbm>>)
    %dma_wait3A_229 = arith.constant 2 : i32
    %dma_wait3A_230 = arith.constant 2 : i32
    %dma_wait3A_231 = arith.constant 0 : i32
    %dma_wait3A_232 = tpu.memref_slice %arg10[%dma_wait3A_229, %dma_wait3A_231] : memref<4x2048xf32, #tpu.memory_space<vmem>> -> memref<1x2048xf32, #tpu.memory_space<vmem>>
    %dma_wait3A_233 = tpu.memref_squeeze %dma_wait3A_232 : memref<1x2048xf32, #tpu.memory_space<vmem>> -> memref<2048xf32, #tpu.memory_space<vmem>>
    %dma_wait3A_234 = arith.constant 0 : i32
    %dma_wait3A_235 = tpu.memref_slice %arg5[%dma_wait3A_230, %add3A_4, %dma_wait3A_234] : memref<4x64x2048xf32, #tpu.memory_space<hbm>> -> memref<1x1x2048xf32, #tpu.memory_space<hbm>>
    %dma_wait3A_236 = tpu.memref_squeeze %dma_wait3A_235 : memref<1x1x2048xf32, #tpu.memory_space<hbm>> -> memref<2048xf32, #tpu.memory_space<hbm>>
    %dma_wait3A_237 = arith.constant 0 : i32
    %dma_wait3A_238 = tpu.memref_slice %arg5[%dma_wait3A_230, %add3A_4, %dma_wait3A_237] : memref<4x64x2048xf32, #tpu.memory_space<hbm>> -> memref<1x1x2048xf32, #tpu.memory_space<hbm>>
    %dma_wait3A_239 = tpu.memref_squeeze %dma_wait3A_238 : memref<1x1x2048xf32, #tpu.memory_space<hbm>> -> memref<2048xf32, #tpu.memory_space<hbm>>
    %dma_wait3A_240 = arith.constant 0 : i32
    %dma_wait3A_241 = tpu.memref_slice %arg10[%dma_wait3A_229, %dma_wait3A_240] : memref<4x2048xf32, #tpu.memory_space<vmem>> -> memref<1x2048xf32, #tpu.memory_space<vmem>>
    %dma_wait3A_242 = tpu.memref_squeeze %dma_wait3A_241 : memref<1x2048xf32, #tpu.memory_space<vmem>> -> memref<2048xf32, #tpu.memory_space<vmem>>
    tpu.wait_dma2 semaphore(%arg12 : memref<!tpu.dma_semaphore, #tpu.memory_space<semaphore_mem>>) src(%dma_wait3A_242 : memref<2048xf32, #tpu.memory_space<vmem>>) dst(%dma_wait3A_239 : memref<2048xf32, #tpu.memory_space<hbm>>)
    %dma_wait3A_243 = arith.constant 3 : i32
    %dma_wait3A_244 = arith.constant 3 : i32
    %dma_wait3A_245 = arith.constant 0 : i32
    %dma_wait3A_246 = tpu.memref_slice %arg10[%dma_wait3A_243, %dma_wait3A_245] : memref<4x2048xf32, #tpu.memory_space<vmem>> -> memref<1x2048xf32, #tpu.memory_space<vmem>>
    %dma_wait3A_247 = tpu.memref_squeeze %dma_wait3A_246 : memref<1x2048xf32, #tpu.memory_space<vmem>> -> memref<2048xf32, #tpu.memory_space<vmem>>
    %dma_wait3A_248 = arith.constant 0 : i32
    %dma_wait3A_249 = tpu.memref_slice %arg5[%dma_wait3A_244, %add3A_4, %dma_wait3A_248] : memref<4x64x2048xf32, #tpu.memory_space<hbm>> -> memref<1x1x2048xf32, #tpu.memory_space<hbm>>
    %dma_wait3A_250 = tpu.memref_squeeze %dma_wait3A_249 : memref<1x1x2048xf32, #tpu.memory_space<hbm>> -> memref<2048xf32, #tpu.memory_space<hbm>>
    %dma_wait3A_251 = arith.constant 0 : i32
    %dma_wait3A_252 = tpu.memref_slice %arg5[%dma_wait3A_244, %add3A_4, %dma_wait3A_251] : memref<4x64x2048xf32, #tpu.memory_space<hbm>> -> memref<1x1x2048xf32, #tpu.memory_space<hbm>>
    %dma_wait3A_253 = tpu.memref_squeeze %dma_wait3A_252 : memref<1x1x2048xf32, #tpu.memory_space<hbm>> -> memref<2048xf32, #tpu.memory_space<hbm>>
    %dma_wait3A_254 = arith.constant 0 : i32
    %dma_wait3A_255 = tpu.memref_slice %arg10[%dma_wait3A_243, %dma_wait3A_254] : memref<4x2048xf32, #tpu.memory_space<vmem>> -> memref<1x2048xf32, #tpu.memory_space<vmem>>
    %dma_wait3A_256 = tpu.memref_squeeze %dma_wait3A_255 : memref<1x2048xf32, #tpu.memory_space<vmem>> -> memref<2048xf32, #tpu.memory_space<vmem>>
    tpu.wait_dma2 semaphore(%arg12 : memref<!tpu.dma_semaphore, #tpu.memory_space<semaphore_mem>>) src(%dma_wait3A_256 : memref<2048xf32, #tpu.memory_space<vmem>>) dst(%dma_wait3A_253 : memref<2048xf32, #tpu.memory_space<hbm>>)
    return
  }
}

</mosaic_0001>

<sc_bundles>
// kernel: kernel.3.cloned.1.call-start
scs
__scs_entry_jumppad:
0x0: {  	(pc) =	sbr.rel $0x88, $3  }
0x1: {  	(tag) =	ssettag $0x0;
	lr =	simm.s32 $0x1  }
0x2: {  	[smem:$0x3F9E] =	sst lr;
	_ =	strace $0xD0000000  }
0x3: {  	_ = 	snop  }
0x4: {  	_ = 	snop  }
0x5: {  	_ = 	snop  }
0x6: {  	_ = 	snop  }
0x7: {  	_ = 	snop  }
__scs_overlays_trampoline_lowered:
0x8: {  	[smem:$0x3FAD] =	sst s0  }
0x9: {  	[smem:$0x3FAE] =	sst s1  }
0xa: {  	[smem:$0x3FAF] =	sst s2  }
0xb: {  	[smem:$0x3FB0] =	sst s3  }
0xc: {  	[smem:$0x3FB1] =	sst s4  }
0xd: {  	[smem:$0x3FB2] =	sst s5  }
0xe: {  	[smem:$0x3FB3] =	sst s6  }
0xf: {  	[smem:$0x3FB4] =	sst s7  }
0x10: {  	[smem:$0x3FB5] =	sst s8  }
0x11: {  	[smem:$0x3FB6] =	sst s9;
	s0 =	simm.s32 @!p0 $0x0  }
0x12: {  	s1 =	sld [smem:$0x3F9C];
	s0 =	simm.s32 @p0 $0x1  }
0x13: {  	[smem:$0x3FB7] =	sst s0;
	s0 =	simm.s32 @!p1 $0x0  }
0x14: {  	s2 =	sld [smem:$0x3F9B];
	s0 =	simm.s32 @p1 $0x1  }
0x15: {  	[smem:$0x3FB8] =	sst s0;
	s0 =	simm.s32 @!p2 $0x0  }
0x16: {  	s3 =	sld [smem:$0x3FDB];
	s0 =	simm.s32 @p2 $0x1  }
0x17: {  	s4 =	simm.s32 $0x1BF5;
	[smem:$0x3FBA] =	sst s0  }
0x18: {  	s0 =	sld [smem:$0x3F9D];
	_ =	swait.ge [sflag:s4], $0x0  }
0x19: {  	s7 =	sld [smem:$0x3F9E]  }
0x1a: {  	s8 =	sadd.s32 $0xFFFFE003, lr  }
0x1b: {  	s9 =	sadd.s32 $0xFFFFFEF7, lr;
	s5 =	simm.s32 $0xFFFFFFFF;
	p2 =	slt.u32 s8, $0xFFFFF086  }
0x1c: {  	p1 =	slt.u32 s9, $0xF7A;
	s5 =	simm.s32 @!p2 $0x0  }
0x1d: {  	s5 =	simm.s32 @p1 $0x1;
	p0 =	seq.s32 s7, s2  }
0x1e: {  	s7 =	smul.u32 @!p0 $0xF7A, s2;
	p2 =	seq.s32 @!p0 s5, $0x0  }
0x1f: {  	s9 =	smul.u32 $0xF7A, s1;
	s8 =	simm.s32 @!p0 $0x1BF5;
	p2 =	por !p2, p0  }
0x20: {  	[sflag:s8] =	ssyncset.s32 @!p0 $0xFFFFF086;
	s6 =	sadd.s32 @!p0 s3, s7;
	s7 =	simm.s32 @!p0 $0x108  }
0x21: {  	s3 =	sadd.s32 s3, s9;
	s6 =	sadd.s32 @!p0 $0x88, s6;
	s7 =	simm.s32 @p2 $0x1082  }
0x22: {  	[simem:s7], [sflag:s8] =	dma.local @!p0 [hbm:s6], $0xF7A  }
0x23: {  	s9 =	sor.u32 $0xD0000000, s2;
	s6 =	simm.s32 $0x108;
	_ =	swait.ge @!p0 [sflag:s8], $0x0  }
0x24: {  	s3 =	sadd.s32 $0x88, s3;
	s6 =	simm.s32 @!p1 $0x1082;
	[sflag:s4] =	ssyncset.s32 $0xFFFFF086  }
0x25: {  	[simem:s6], [sflag:s4] =	dma.local [hbm:s3], $0xF7A  }
0x26: {  	[smem:$0x3F9E] =	sst s1;
	(tag) =	ssettag s2;
	_ =	strace s9  }
0x27: {  	s1 =	sld [smem:$0x3FAE]  }
0x28: {  	s2 =	sld [smem:$0x3FAF]  }
0x29: {  	s4 =	sld [smem:$0x3FB1]  }
0x2a: {  	p0 =	seq.s32 s5, $0x0;
	s5 =	sld [smem:$0x3FB2]  }
0x2b: {  	s6 =	sld [smem:$0x3FB3]  }
0x2c: {  	s7 =	sld [smem:$0x3FB4]  }
0x2d: {  	s3 =	simm.s32 $0x108;
	s8 =	sld [smem:$0x3FB5]  }
0x2e: {  	s3 =	simm.s32 @!p0 $0x1082;
	s9 =	sld [smem:$0x3FB6]  }
0x2f: {  	lr =	sadd.s32 s0, s3;
	s0 =	sld [smem:$0x3FAD]  }
0x30: {  	s3 =	sld [smem:$0x3FB0]  }
0x31: {  	[smem:$0x3FB9] =	sst s10  }
0x32: {  	s10 =	sld [smem:$0x3FB7];
	_ =	sdelay $0x3  }
0x33: {  	p0 =	seq.s32 s10, $0x1;
	s10 =	sld [smem:$0x3FB9];
	_ =	sdelay $0x3  }
0x34: {  	[smem:$0x3FB9] =	sst s10  }
0x35: {  	s10 =	sld [smem:$0x3FB8];
	_ =	sdelay $0x3  }
0x36: {  	p1 =	seq.s32 s10, $0x1;
	s10 =	sld [smem:$0x3FB9];
	_ =	sdelay $0x3  }
0x37: {  	[smem:$0x3FB9] =	sst s10  }
0x38: {  	s10 =	sld [smem:$0x3FBA]  }
0x39: {  	_ = 	snop;
	(pc) =	sbr.ind lr, $3  }
0x3a: {  	_ = 	snop  }
0x3b: {  	_ = 	snop  }
0x3c: {  	p2 =	seq.s32 s10, $0x1;
	s10 =	sld [smem:$0x3FB9]  }
0x3d: {  	_ =	shalt  }
0x3e: {  	_ =	shalt  }
0x3f: {  	_ =	shalt  }
0x40: {  	_ =	shalt  }
0x41: {  	_ =	shalt  }
0x42: {  	_ =	shalt  }
0x43: {  	_ =	shalt  }
0x44: {  	_ =	shalt  }
0x45: {  	_ =	shalt  }
0x46: {  	_ =	shalt  }
0x47: {  	_ =	shalt  }
0x48: {  	_ =	shalt  }
0x49: {  	_ =	shalt  }
0x4a: {  	_ =	shalt  }
0x4b: {  	_ =	shalt  }
0x4c: {  	_ =	shalt  }
0x4d: {  	_ =	shalt  }
0x4e: {  	_ =	shalt  }
0x4f: {  	_ =	shalt  }
0x50: {  	_ =	shalt  }
0x51: {  	_ =	shalt  }
0x52: {  	_ =	shalt  }
0x53: {  	_ =	shalt  }
0x54: {  	_ =	shalt  }
0x55: {  	_ =	shalt  }
0x56: {  	_ =	shalt  }
0x57: {  	_ =	shalt  }
0x58: {  	_ =	shalt  }
0x59: {  	_ =	shalt  }
0x5a: {  	_ =	shalt  }
0x5b: {  	_ =	shalt  }
0x5c: {  	_ =	shalt  }
0x5d: {  	_ =	shalt  }
0x5e: {  	_ =	shalt  }
0x5f: {  	_ =	shalt  }
0x60: {  	_ =	shalt  }
0x61: {  	_ =	shalt  }
0x62: {  	_ =	shalt  }
0x63: {  	_ =	shalt  }
0x64: {  	_ =	shalt  }
0x65: {  	_ =	shalt  }
0x66: {  	_ =	shalt  }
0x67: {  	_ =	shalt  }
0x68: {  	_ =	shalt  }
0x69: {  	_ =	shalt  }
0x6a: {  	_ =	shalt  }
0x6b: {  	_ =	shalt  }
0x6c: {  	_ =	shalt  }
0x6d: {  	_ =	shalt  }
0x6e: {  	_ =	shalt  }
0x6f: {  	_ =	shalt  }
0x70: {  	_ =	shalt  }
0x71: {  	_ =	shalt  }
0x72: {  	_ =	shalt  }
0x73: {  	_ =	shalt  }
0x74: {  	_ =	shalt  }
0x75: {  	_ =	shalt  }
0x76: {  	_ =	shalt  }
0x77: {  	_ =	shalt  }
0x78: {  	_ =	shalt  }
0x79: {  	_ =	shalt  }
0x7a: {  	_ =	shalt  }
0x7b: {  	_ =	shalt  }
0x7c: {  	_ =	shalt  }
0x7d: {  	_ =	shalt  }
0x7e: {  	_ =	shalt  }
0x7f: {  	_ =	shalt  }
0x80: {  	_ =	shalt  }
0x81: {  	_ =	shalt  }
0x82: {  	_ =	shalt  }
0x83: {  	_ =	shalt  }
0x84: {  	_ =	shalt  }
0x85: {  	_ =	shalt  }
0x86: {  	_ =	shalt  }
0x87: {  	_ =	shalt  }
.Lfunc_end0:
.L_simem_size_0:
called_computation_lowered:
.L_overlay_start_0:
0x88: {  	s2 =	sld [smem:$0x3FD9]  }
0x89: {  	s3 =	sld [smem:$0x3FFE];
	_ =	sdelay $0x1  }
0x8a: {  	s1 =	srdreg.scid  }
0x8b: {  	s0 =	sand.u32 $0x1, s1  }
0x8c: {  	s18 =	sshll.u32 s0, $0xA;
	s2 =	sadd.s32 s3, s2  }
0x8d: {  	s2 =	sadd.s32 s2, s18  }
0x8e: {  	[smem:$0x3FC5] =	sst s2  }
0x8f: {  	_ = 	snop  }
0x90: {  	s2 =	sld [smem:$0x3FC9]  }
0x91: {  	s19 =	sld [smem:$0x3FC8]  }
0x92: {  	s4 =	sld [smem:$0x3FC7]  }
0x93: {  	s5 =	sld [smem:$0x3FD0];
	(tm) =	ssettm $0x1  }
0x94: {  	s6 =	sld [smem:$0x3FFB];
	_ =	sdelay $0x3  }
0x95: {  	_ =	strace s6  }
0x96: {  	s6 =	sld [smem:$0x3FFC];
	_ =	sdelay $0x3  }
0x97: {  	_ =	strace s6  }
0x98: {  	s6 =	sld [smem:$0x3FFD];
	_ =	sdelay $0x3  }
0x99: {  	_ =	strace s6  }
0x9a: {  	_ =	strace $0x8FFFFFFF  }
0x9b: {  	s20 =	sld [smem:$0x3FDB];
	_ =	sdelay $0x1  }
0x9c: {  	s7 =	simm.s32 $_scs_section_size  }
0x9d: {  	s8 =	simm.s32 $_size__tile_overlayer_lowered;
	s9 =	simm.s32 $_tile_overlayer_lowered  }
0x9e: {  	s23 =	simm.s32 $0x1BFF;
	s22 =	sshll.u32 s9, $0x1;
	s6 =	sadd.s32 s7, s20  }
0x9f: {  	s10 =	simm.s32 $0x0;
	s21 =	sshll.u32 s8, $0x1;
	s8 =	sadd.s32 s22, s6  }
0xa0: {  	[timem:s10], [sflag:s23] =	dma.local [hbm:s8], s21  }
0xa1: {  	_ =	swait.ge [sflag:s23], s21  }
0xa2: {  	s7 =	ssub.s32 $0x0, s21;
	[sflag:s23] =	ssyncset.done $0x0  }
0xa3: {  	[sflag:s23] =	ssyncadd.s32 s7;
	_ =	sdelay $0x1  }
0xa4: {  	s24 =	simm.s32 $0x1B8B  }
0xa5: {  	_ =	swait.ge [sflag:s24], $0x1  }
0xa6: {  	[sflag:s24] =	ssyncset.done $0x0  }
0xa7: {  	s25 =	simm.s32 $0x1B8E;
	[sflag:s24] =	ssyncadd.s32 $0xFFFFFFFF  }
0xa8: {  	s26 =	simm.s32 $execute0_lowered;
	[smem:$0x3FD2] =	sst s25  }
0xa9: {  	s7 =	sshll.u32 s26, $0x1;
	_ =	strace $0x80000046;
	[dreg:$0x1] =	wrdreg $0xFFFFFFFF  }
0xaa: {  	s28 =	simm.s32 $_size_execute0_lowered;
	s6 =	sadd.s32 s6, s7;
	[dreg:$0x0] =	wrdreg $0x0  }
0xab: {  	s7 =	sshll.u32 s28, $0x1;
	[dreg:$0x2] =	wrdreg s6  }
0xac: {  	[dreg:$0x3] =	wrdreg s7  }
0xad: {  	[dreg:$0x4] =	wrdreg $0xC0  }
0xae: {  	_ =	task [dreg:s10], $0x5FFFF  }
0xaf: {  	[dreg:$0x1] =	wrdreg $0xFFFFFFFF  }
0xb0: {  	[dreg:$0x0] =	wrdreg $0x60  }
0xb1: {  	[dreg:$0x2] =	wrdreg s2  }
0xb2: {  	[dreg:$0x3] =	wrdreg s19  }
0xb3: {  	[dreg:$0x4] =	wrdreg s4  }
0xb4: {  	[dreg:$0x5] =	wrdreg s5  }
0xb5: {  	[dreg:$0x6] =	wrdreg $0x9  }
0xb6: {  	_ =	task.clear_ibuf [dreg:s10], $0x7FFFF;
	_ =	strace $0x90000046  }
0xb7: {  	s29 =	simm.s32 $0x9;
	_ =	strace $0x80000048  }
0xb8: {  	_ =	swait.ge [sflag:s29], $0x1  }
0xb9: {  	[sflag:s29] =	ssyncadd.s32 $0xFFFFFFFF  }
0xba: {  	_ =	strace $0x90000048  }
0xbb: {  	_ =	sfence  }
0xbc: {  	s30 =	sld [smem:$0x0];
	_ =	sdelay $0x2  }
0xbd: {  	s31 =	sshll.u32 s1, $0xD;
	s1 =	sshrl.u32 s1, $0x2  }
0xbe: {  	s3 =	sand.u32 $0x4000, s31;
	s1 =	sadd.s32 s1, s30  }
0xbf: {  	s0 =	sor.u32 s3, s0;
	s1 =	sshll.u32 s1, $0x11  }
0xc0: {  	s0 =	sor.u32 s1, s0  }
0xc1: {  	s0 =	sadd.s32 $0x8F2B, s0  }
0xc2: {  	[sflag:s0] =	ssyncadd.remote.s32 $0x1  }
0xc3: {  	_ =	sfence.sel $0xFFFF  }
0xc4: {  	[dreg:$0x0] =	wrdreg $0xFFFFFFFF;
	(pc) =	sbr.abs _section_cstart, $3  }
0xc5: {  	[dreg:$0x1] =	wrdreg $0xFFFFFFFF  }
0xc6: {  	_ =	task.clear_ibuf [dreg:s10], $0x2FFFF;
	_ =	strace $0x9FFFFFFF  }
0xc7: {  	(tm) =	ssettm $0x7FFFFFFF  }
tec
execute0_lowered:
.L_overlay_start_1:
0x0: {  	(tag) =	ssettag $0x1  }
0x1: {  	s0 =	rddreg [dreg:$0x1]  }
0x2: {  	s1 =	rddreg [dreg:$0x2]  }
0x3: {  	s2 =	rddreg [dreg:$0x3]  }
0x4: {  	s3 =	simm.s32 $0x0;
	s4 =	srdreg.scid;
	s6 =	stileid.u32  }
0x5: {  	s4 =	sand.u32 $0x1, s4;
	s5 =	sshll.u32 s6, $0x8;
	s6 =	sshrl.u32 s6, $0x2  }
0x6: {  	[smem:$0x7FF] =	sst s3;
	s25 =	sadd.s32 $0x4000, s2;
	s28 =	sadd.s32 $0x8000, s2  }
0x7: {  	s29 =	sadd.s32 $0xC000, s2;
	s7 =	sshll.u32 s4, $0x7;
	s5 =	sand.u32 $0x300, s5  }
0x8: {  	s8 =	smul.u32 $0xC3800, s6;
	s4 =	ssub.s32 $0x2, s4;
	_ =	strace $0x80000047  }
0x9: {  	s20 =	sor.u32 $0x4, s6;
	s5 =	sor.u32 s7, s5;
	s18 =	sshrl.u32 s4, $0x1  }
0xa: {  	s6 =	sshll.u32 s6, $0xE;
	s8 =	sor.u32 s8, s5;
	s4 =	ssub.s32 s4, s18  }
0xb: {  	s6 =	sor.u32 s6, s5;
	s19 =	sshrl.u32 s8, $0x3;
	s31 =	smax.u32 s4, $0x1  }
0xc: {  	s6 =	sshrl.u32 s6, $0x3;
	s7 =	sadd.s32 s0, s19;
	[dreg:$0xd] =	wrdreg s31  }
0xd: {  	s9 =	sshll.u32 s20, $0xE;
	s22 =	sadd.s32 s1, s6;
	[dreg:$0x5] =	wrdreg s7  }
0xe: {  	s21 =	sor.u32 s5, s9;
	s24 =	sadd.s32 s2, s6;
	[dreg:$0x6] =	wrdreg s22  }
0xf: {  	s8 =	smul.u32 $0xC3800, s20;
	s26 =	sadd.s32 s6, s25;
	[dreg:$0x9] =	wrdreg s24  }
0x10: {  	s30 =	sadd.s32 s6, s28;
	s6 =	sadd.s32 s6, s29;
	[dreg:$0xa] =	wrdreg s26  }
0x11: {  	s19 =	simm.s32 $0x2000;
	s7 =	sshrl.u32 s21, $0x3;
	[dreg:$0xb] =	wrdreg s30  }
0x12: {  	s5 =	sor.u32 s5, s8;
	[dreg:$0xc] =	wrdreg s6;
	s1 =	sadd.s32 s1, s7  }
0x13: {  	s23 =	sshrl.u32 s5, $0x3;
	s12 =	sadd.s32 s2, s7;
	s13 =	sadd.s32 s7, s25  }
0x14: {  	s14 =	sadd.s32 s7, s28;
	[dreg:$0x7] =	wrdreg s1;
	s0 =	sadd.s32 s0, s23  }
0x15: {  	s15 =	sadd.s32 s7, s29;
	s2 =	simm.s32 $0x0;
	[dreg:$0x8] =	wrdreg s0  }
.LBB2_1:
0x16: {  	[dreg:$0xe] =	wrdreg s2  }
0x17: {  	s0 =	rddreg [dreg:$0x5];
	s1 =	simm.s32 $0x80;
	s6 =	simm.s32 $0x400  }
0x18: {  	[tilespmem:s19], [sflag:$0x1] =	stream.strided.gather [hbm4b:s0+s1], $0x18700, s6, s1, $0x38;
	[tilespmem:$0x1F700] =	vst v63  }
0x19: {  	s7 =	rddreg [dreg:$0x0];
	s2 =	simm.s32 $0x3  }
0x1a: {  	[tilespmem:s3], [sflag:$0x3] =	stream.linear.gather [hbm4b:s7+s3], $0x2000, $0x38;
	[tilespmem:$0x1F700] =	vst v63  }
0x1b: {  	_ =	swait.ge [sflag:s2], $0x2000  }
0x1c: {  	[sflag:s2] =	ssyncset.done $0x0  }
0x1d: {  	s8 =	simm.s32 $0x1A700;
	s1 =	rddreg [dreg:$0x6];
	[sflag:s2] =	ssyncadd.s32 $0xFFFFE000  }
0x1e: {  	[tilespmem:s8], [sflag:$0x3] =	stream.linear.gather [hbm4b:s1+s3], $0x80, $0x38;
	[tilespmem:$0x1F700] =	vst v63  }
0x1f: {  	s4 =	simm.s32 $0x1A800;
	s9 =	sadd.s32 $0x80, s1  }
0x20: {  	[tilespmem:s4], [sflag:$0x3] =	stream.linear.gather [hbm4b:s9+s3], $0x80, $0x38;
	[tilespmem:$0x1F700] =	vst v63  }
0x21: {  	s11 =	simm.s32 $0x1A900;
	s10 =	sadd.s32 $0x100, s1  }
0x22: {  	[tilespmem:s11], [sflag:$0x3] =	stream.linear.gather [hbm4b:s10+s3], $0x80, $0x38;
	[tilespmem:$0x1F700] =	vst v63  }
0x23: {  	s17 =	simm.s32 $0x1AA00;
	s16 =	sadd.s32 $0x180, s1  }
0x24: {  	[tilespmem:s17], [sflag:$0x3] =	stream.linear.gather [hbm4b:s16+s3], $0x80, $0x38;
	[tilespmem:$0x1F700] =	vst v63  }
0x25: {  	s20 =	simm.s32 $0x1AB00;
	s18 =	sadd.s32 $0x200, s1  }
0x26: {  	[tilespmem:s20], [sflag:$0x3] =	stream.linear.gather [hbm4b:s18+s3], $0x80, $0x38;
	[tilespmem:$0x1F700] =	vst v63  }
0x27: {  	s22 =	simm.s32 $0x1AC00;
	s21 =	sadd.s32 $0x280, s1  }
0x28: {  	[tilespmem:s22], [sflag:$0x3] =	stream.linear.gather [hbm4b:s21+s3], $0x80, $0x38;
	[tilespmem:$0x1F700] =	vst v63  }
0x29: {  	s24 =	simm.s32 $0x1AD00;
	s23 =	sadd.s32 $0x300, s1  }
0x2a: {  	[tilespmem:s24], [sflag:$0x3] =	stream.linear.gather [hbm4b:s23+s3], $0x80, $0x38;
	[tilespmem:$0x1F700] =	vst v63  }
0x2b: {  	s26 =	simm.s32 $0x1AE00;
	s25 =	sadd.s32 $0x380, s1  }
0x2c: {  	[tilespmem:s26], [sflag:$0x3] =	stream.linear.gather [hbm4b:s25+s3], $0x80, $0x38;
	[tilespmem:$0x1F700] =	vst v63  }
0x2d: {  	s6 =	simm.s32 $0x1AF00;
	s5 =	sadd.s32 $0x400, s1  }
0x2e: {  	[tilespmem:s6], [sflag:$0x3] =	stream.linear.gather [hbm4b:s5+s3], $0x80, $0x38;
	[tilespmem:$0x1F700] =	vst v63  }
0x2f: {  	s7 =	sadd.s32 $0x480, s1;
	s8 =	simm.s32 $0x1B000  }
0x30: {  	[tilespmem:s8], [sflag:$0x3] =	stream.linear.gather [hbm4b:s7+s3], $0x80, $0x38;
	[tilespmem:$0x1F700] =	vst v63  }
0x31: {  	s9 =	sadd.s32 $0x500, s1;
	s10 =	simm.s32 $0x1B100  }
0x32: {  	[tilespmem:s10], [sflag:$0x3] =	stream.linear.gather [hbm4b:s9+s3], $0x80, $0x38;
	[tilespmem:$0x1F700] =	vst v63  }
0x33: {  	s11 =	sadd.s32 $0x580, s1;
	s16 =	simm.s32 $0x1B200  }
0x34: {  	[tilespmem:s16], [sflag:$0x3] =	stream.linear.gather [hbm4b:s11+s3], $0x80, $0x38;
	[tilespmem:$0x1F700] =	vst v63  }
0x35: {  	s17 =	sadd.s32 $0x600, s1;
	s18 =	simm.s32 $0x1B300  }
0x36: {  	[tilespmem:s18], [sflag:$0x3] =	stream.linear.gather [hbm4b:s17+s3], $0x80, $0x38;
	[tilespmem:$0x1F700] =	vst v63  }
0x37: {  	s20 =	sadd.s32 $0x680, s1;
	s21 =	simm.s32 $0x1B400  }
0x38: {  	[tilespmem:s21], [sflag:$0x3] =	stream.linear.gather [hbm4b:s20+s3], $0x80, $0x38;
	[tilespmem:$0x1F700] =	vst v63  }
0x39: {  	s22 =	sadd.s32 $0x700, s1;
	s23 =	simm.s32 $0x1B500  }
0x3a: {  	[tilespmem:s23], [sflag:$0x3] =	stream.linear.gather [hbm4b:s22+s3], $0x80, $0x38;
	[tilespmem:$0x1F700] =	vst v63  }
0x3b: {  	s24 =	sadd.s32 $0x780, s1;
	s25 =	simm.s32 $0x1B600  }
0x3c: {  	[tilespmem:s25], [sflag:$0x3] =	stream.linear.gather [hbm4b:s24+s3], $0x80, $0x38;
	[tilespmem:$0x1F700] =	vst v63  }
0x3d: {  	_ =	swait.ge [sflag:s2], $0x800  }
0x3e: {  	[sflag:s2] =	ssyncset.done $0x0  }
0x3f: {  	s26 =	simm.s32 $0x1A780;
	s1 =	rddreg [dreg:$0x7];
	[sflag:s2] =	ssyncadd.s32 $0xFFFFF800  }
0x40: {  	[tilespmem:s26], [sflag:$0x3] =	stream.linear.gather [hbm4b:s1+s3], $0x80, $0x38;
	[tilespmem:$0x1F700] =	vst v63  }
0x41: {  	s5 =	simm.s32 $0x1A880;
	s4 =	sadd.s32 $0x80, s1  }
0x42: {  	[tilespmem:s5], [sflag:$0x3] =	stream.linear.gather [hbm4b:s4+s3], $0x80, $0x38;
	[tilespmem:$0x1F700] =	vst v63  }
0x43: {  	s7 =	simm.s32 $0x1A980;
	s6 =	sadd.s32 $0x100, s1  }
0x44: {  	[tilespmem:s7], [sflag:$0x3] =	stream.linear.gather [hbm4b:s6+s3], $0x80, $0x38;
	[tilespmem:$0x1F700] =	vst v63  }
0x45: {  	s9 =	simm.s32 $0x1AA80;
	s8 =	sadd.s32 $0x180, s1  }
0x46: {  	[tilespmem:s9], [sflag:$0x3] =	stream.linear.gather [hbm4b:s8+s3], $0x80, $0x38;
	[tilespmem:$0x1F700] =	vst v63  }
0x47: {  	s11 =	simm.s32 $0x1AB80;
	s10 =	sadd.s32 $0x200, s1  }
0x48: {  	[tilespmem:s11], [sflag:$0x3] =	stream.linear.gather [hbm4b:s10+s3], $0x80, $0x38;
	[tilespmem:$0x1F700] =	vst v63  }
0x49: {  	s17 =	simm.s32 $0x1AC80;
	s16 =	sadd.s32 $0x280, s1  }
0x4a: {  	[tilespmem:s17], [sflag:$0x3] =	stream.linear.gather [hbm4b:s16+s3], $0x80, $0x38;
	[tilespmem:$0x1F700] =	vst v63  }
0x4b: {  	s20 =	simm.s32 $0x1AD80;
	s18 =	sadd.s32 $0x300, s1  }
0x4c: {  	[tilespmem:s20], [sflag:$0x3] =	stream.linear.gather [hbm4b:s18+s3], $0x80, $0x38;
	[tilespmem:$0x1F700] =	vst v63  }
0x4d: {  	s22 =	simm.s32 $0x1AE80;
	s21 =	sadd.s32 $0x380, s1  }
0x4e: {  	[tilespmem:s22], [sflag:$0x3] =	stream.linear.gather [hbm4b:s21+s3], $0x80, $0x38;
	[tilespmem:$0x1F700] =	vst v63  }
0x4f: {  	s24 =	simm.s32 $0x1AF80;
	s23 =	sadd.s32 $0x400, s1  }
0x50: {  	[tilespmem:s24], [sflag:$0x3] =	stream.linear.gather [hbm4b:s23+s3], $0x80, $0x38;
	[tilespmem:$0x1F700] =	vst v63  }
0x51: {  	s25 =	sadd.s32 $0x480, s1;
	s26 =	simm.s32 $0x1B080  }
0x52: {  	[tilespmem:s26], [sflag:$0x3] =	stream.linear.gather [hbm4b:s25+s3], $0x80, $0x38;
	[tilespmem:$0x1F700] =	vst v63  }
0x53: {  	s4 =	sadd.s32 $0x500, s1;
	s5 =	simm.s32 $0x1B180  }
0x54: {  	[tilespmem:s5], [sflag:$0x3] =	stream.linear.gather [hbm4b:s4+s3], $0x80, $0x38;
	[tilespmem:$0x1F700] =	vst v63  }
0x55: {  	s6 =	sadd.s32 $0x580, s1;
	s7 =	simm.s32 $0x1B280  }
0x56: {  	[tilespmem:s7], [sflag:$0x3] =	stream.linear.gather [hbm4b:s6+s3], $0x80, $0x38;
	[tilespmem:$0x1F700] =	vst v63  }
0x57: {  	s8 =	sadd.s32 $0x600, s1;
	s9 =	simm.s32 $0x1B380  }
0x58: {  	[tilespmem:s9], [sflag:$0x3] =	stream.linear.gather [hbm4b:s8+s3], $0x80, $0x38;
	[tilespmem:$0x1F700] =	vst v63  }
0x59: {  	s10 =	sadd.s32 $0x680, s1;
	s11 =	simm.s32 $0x1B480  }
0x5a: {  	[tilespmem:s11], [sflag:$0x3] =	stream.linear.gather [hbm4b:s10+s3], $0x80, $0x38;
	[tilespmem:$0x1F700] =	vst v63  }
0x5b: {  	s16 =	sadd.s32 $0x700, s1;
	s17 =	simm.s32 $0x1B580  }
0x5c: {  	[tilespmem:s17], [sflag:$0x3] =	stream.linear.gather [hbm4b:s16+s3], $0x80, $0x38;
	[tilespmem:$0x1F700] =	vst v63  }
0x5d: {  	s18 =	sadd.s32 $0x780, s1;
	s20 =	simm.s32 $0x1B680  }
0x5e: {  	[tilespmem:s20], [sflag:$0x3] =	stream.linear.gather [hbm4b:s18+s3], $0x80, $0x38;
	[tilespmem:$0x1F700] =	vst v63  }
0x5f: {  	_ =	swait.ge [sflag:s2], $0x800  }
0x60: {  	[sflag:s2] =	ssyncset.done $0x0  }
0x61: {  	s21 =	simm.s32 $0x1;
	[sflag:s2] =	ssyncadd.s32 $0xFFFFF800  }
0x62: {  	s22 =	simm.s32 $0x0;
	s5 =	sand.u32 $0x40, s3;
	_ =	swait.ge [sflag:s21], $0x18700  }
0x63: {  	s6 =	sand.u32 $0x3FFFFE00, s22;
	s7 =	sor.u32 $0x30, s5;
	[sflag:s21] =	ssyncset.done $0x0  }
0x64: {  	s1 =	sor.u32 s7, s6;
	s8 =	sor.u32 $0x10, s5;
	[sflag:s21] =	ssyncadd.s32 $0xFFFE7900  }
0x65: {  	s2 =	sor.u32 s8, s6;
	v0 =	vld [tilespmem:s1+$0x0]  }
0x66: {  	v2 =	vld [tilespmem:s2+$0x0]  }
0x67: {  	s0 =	sor.u32 s5, s6;
	s10 =	simm.s32 $0x0  }
0x68: {  	s9 =	sor.u32 $0x20, s5;
	s10 =	sand.u32 $0x3FFFFF00, s10;
	v1 =	vld [tilespmem:s0+$0x0]  }
0x69: {  	s4 =	sor.u32 s9, s6;
	s10 =	sadd.s32 $0x1A700, s10  }
0x6a: {  	s16 =	sor.u32 s7, s10;
	v3 =	vld [tilespmem:s4+$0x0]  }
0x6b: {  	s23 =	sor.u32 s5, s10;
	v10 =	vld [tilespmem:s16+$0x0]  }
0x6c: {  	v11 =	vld [tilespmem:s23+$0x0]  }
0x6d: {  	v4 =	vld.idx.msk [tilespmem:v0+s19+$0x0], $0xffff  }
0x6e: {  	s24 =	sor.u32 s8, s10;
	s6 =	sadd.s32 $0x1B700, s6;
	v2 =	vld.idx.msk [tilespmem:v2+s19+$0x0], $0xffff  }
0x6f: {  	s25 =	simm.s32 $0x40;
	s10 =	sor.u32 s9, s10;
	s7 =	sor.u32 s7, s6;
	v0 =	vld [tilespmem:s24+$0x0]  }
0x70: {  	s26 =	sor.u32 s8, s6;
	s16 =	sor.u32 s5, s6;
	s5 =	sand.u32 $0x40, s25;
	v5 =	vld.idx.msk [tilespmem:v1+s19+$0x0], $0xffff  }
0x71: {  	s25 =	sor.u32 s9, s6;
	s23 =	simm.s32 $0x80;
	v1 =	vld [tilespmem:s10+$0x0];
	s10 =	simm.s32 $0x100  }
0x72: {  	s11 =	sor.u32 $0x30, s5;
	s6 =	sand.u32 $0x3FFFFF00, s23;
	v3 =	vld.idx.msk [tilespmem:v3+s19+$0x0], $0xffff;
	s8 =	sand.u32 $0x3FFFFE00, s10  }
0x73: {  	s6 =	sadd.s32 $0x1A700, s6;
	s22 =	sor.u32 s11, s8;
	v4 =	vadd.f32 v4, v10  }
0x74: {  	s24 =	sor.u32 s11, s6;
	v6 =	vld [tilespmem:s22+$0x0];
	v2 =	vadd.f32 v2, v0  }
0x75: {  	v13 =	vld [tilespmem:s24+$0x0];
	[tilespmem:s7+$0x0] =	vst v4;
	v4 =	vadd.f32 v5, v11  }
0x76: {  	[tilespmem:s26+$0x0] =	vst v2;
	v5 =	vld [tilespmem:s1+$0x80]  }
0x77: {  	v2 =	vadd.f32 v3, v1;
	v3 =	vld [tilespmem:s2+$0x80];
	[tilespmem:s16+$0x0] =	vst v4  }
0x78: {  	s17 =	sor.u32 s5, s8;
	v4 =	vld [tilespmem:s0+$0x80]  }
0x79: {  	s9 =	sor.u32 $0x10, s5;
	v7 =	vld [tilespmem:s17+$0x0];
	[tilespmem:s25+$0x0] =	vst v2  }
0x7a: {  	s18 =	sor.u32 s9, s8;
	v2 =	vld [tilespmem:s4+$0x80]  }
0x7b: {  	v9 =	vld [tilespmem:s18+$0x0]  }
0x7c: {  	v6 =	vld.idx.msk [tilespmem:v6+s19+$0x0], $0xffff;
	_ =	sdelay $0x1  }
0x7d: {  	v5 =	vld.idx.msk [tilespmem:v5+s19+$0x0], $0xffff  }
0x7e: {  	v3 =	vld.idx.msk [tilespmem:v3+s19+$0x0], $0xffff  }
0x7f: {  	s21 =	sor.u32 $0x20, s5;
	v4 =	vld.idx.msk [tilespmem:v4+s19+$0x0], $0xffff  }
0x80: {  	s20 =	sor.u32 s21, s8;
	s8 =	sadd.s32 $0x1B700, s8;
	v7 =	vld.idx.msk [tilespmem:v7+s19+$0x0], $0xffff;
	v6 =	vadd.f32 v6, v13  }
0x81: {  	s24 =	sor.u32 s11, s8;
	v8 =	vld.idx.msk [tilespmem:v2+s19+$0x0], $0xffff  }
0x82: {  	v9 =	vld.idx.msk [tilespmem:v9+s19+$0x0], $0xffff;
	[tilespmem:s24+$0x0] =	vst v6;
	v5 =	vadd.f32 v5, v10  }
0x83: {  	v6 =	vld [tilespmem:s22+$0x80];
	v3 =	vadd.f32 v3, v0  }
0x84: {  	s11 =	sor.u32 s9, s6;
	[tilespmem:s7+$0x80] =	vst v5;
	v2 =	vadd.f32 v4, v11;
	v4 =	vld [tilespmem:s20+$0x0]  }
0x85: {  	[tilespmem:s26+$0x80] =	vst v3;
	v3 =	vld [tilespmem:s11+$0x0]  }
0x86: {  	s23 =	sor.u32 s5, s6;
	v8 =	vadd.f32 v8, v1;
	v5 =	vld [tilespmem:s1+$0x100]  }
0x87: {  	[tilespmem:s16+$0x80] =	vst v2;
	v2 =	vld [tilespmem:s23+$0x0]  }
0x88: {  	[tilespmem:s25+$0x80] =	vst v8;
	v8 =	vld [tilespmem:s2+$0x100]  }
0x89: {  	v12 =	vld [tilespmem:s0+$0x100]  }
0x8a: {  	v14 =	vld [tilespmem:s4+$0x100]  }
0x8b: {  	v6 =	vld.idx.msk [tilespmem:v6+s19+$0x0], $0xffff  }
0x8c: {  	s23 =	sor.u32 s21, s6;
	v7 =	vadd.f32 v7, v2;
	v15 =	vld.idx.msk [tilespmem:v4+s19+$0x0], $0xffff  }
0x8d: {  	s29 =	sor.u32 s5, s8;
	v4 =	vld [tilespmem:s23+$0x0]  }
0x8e: {  	[tilespmem:s29+$0x0] =	vst v7;
	v5 =	vld.idx.msk [tilespmem:v5+s19+$0x0], $0xffff  }
0x8f: {  	v7 =	vld [tilespmem:s17+$0x80]  }
0x90: {  	v9 =	vadd.f32 v9, v3;
	v8 =	vld.idx.msk [tilespmem:v8+s19+$0x0], $0xffff  }
0x91: {  	s30 =	sor.u32 s9, s8;
	v12 =	vld.idx.msk [tilespmem:v12+s19+$0x0], $0xffff  }
0x92: {  	[tilespmem:s30+$0x0] =	vst v9;
	v9 =	vadd.f32 v15, v4  }
0x93: {  	s31 =	sor.u32 s21, s8;
	v6 =	vadd.f32 v6, v13;
	v14 =	vld.idx.msk [tilespmem:v14+s19+$0x0], $0xffff  }
0x94: {  	v15 =	vld [tilespmem:s18+$0x80];
	v5 =	vadd.f32 v5, v10;
	[tilespmem:s31+$0x0] =	vst v9  }
0x95: {  	[tilespmem:s24+$0x80] =	vst v6;
	v9 =	vld [tilespmem:s20+$0x80]  }
0x96: {  	v12 =	vadd.f32 v12, v11;
	[tilespmem:s7+$0x100] =	vst v5;
	v5 =	vadd.f32 v8, v0;
	v8 =	vld [tilespmem:s22+$0x100]  }
0x97: {  	v16 =	vld [tilespmem:s1+$0x180]  }
0x98: {  	v6 =	vadd.f32 v14, v1;
	v7 =	vld.idx.msk [tilespmem:v7+s19+$0x0], $0xffff;
	[tilespmem:s16+$0x100] =	vst v12  }
0x99: {  	s21 =	simm.s32 $0x80;
	[tilespmem:s26+$0x100] =	vst v5;
	v17 =	vld [tilespmem:s0+$0x180]  }
0x9a: {  	s5 =	sand.u32 $0x40, s21;
	[tilespmem:s25+$0x100] =	vst v6;
	v18 =	vld [tilespmem:s2+$0x180];
	s2 =	simm.s32 $0x200  }
0x9b: {  	s8 =	sor.u32 $0x30, s5;
	v6 =	vld [tilespmem:s4+$0x180];
	s4 =	simm.s32 $0x100;
	s6 =	sand.u32 $0x3FFFFE00, s2  }
0x9c: {  	s9 =	sand.u32 $0x3FFFFF00, s4;
	v14 =	vld.idx.msk [tilespmem:v15+s19+$0x0], $0xffff;
	s2 =	sor.u32 s8, s6  }
0x9d: {  	s0 =	sor.u32 s5, s6;
	s4 =	sadd.s32 $0x1A700, s9;
	v19 =	vld [tilespmem:s2+$0x0]  }
0x9e: {  	v20 =	vld [tilespmem:s0+$0x0];
	s10 =	sor.u32 s5, s4  }
0x9f: {  	s9 =	sor.u32 $0x10, s5;
	v5 =	vadd.f32 v7, v2;
	v7 =	vld [tilespmem:s10+$0x0]  }
0xa0: {  	s11 =	sor.u32 s9, s4;
	v8 =	vld.idx.msk [tilespmem:v8+s19+$0x0], $0xffff  }
0xa1: {  	v12 =	vld [tilespmem:s11+$0x0]  }
0xa2: {  	s1 =	sor.u32 s8, s4;
	v9 =	vld.idx.msk [tilespmem:v9+s19+$0x0], $0xffff  }
0xa3: {  	[tilespmem:s29+$0x80] =	vst v5;
	v5 =	vld [tilespmem:s1+$0x0]  }
0xa4: {  	v15 =	vld [tilespmem:s17+$0x100];
	v14 =	vadd.f32 v14, v3  }
0xa5: {  	s1 =	sor.u32 s9, s6;
	v16 =	vld.idx.msk [tilespmem:v16+s19+$0x0], $0xffff;
	v8 =	vadd.f32 v8, v13  }
0xa6: {  	v21 =	vld [tilespmem:s1+$0x0];
	[tilespmem:s30+$0x80] =	vst v14  }
0xa7: {  	s23 =	sor.u32 $0x20, s5;
	v19 =	vld.idx.msk [tilespmem:v19+s19+$0x0], $0xffff;
	[tilespmem:s24+$0x100] =	vst v8;
	v8 =	vadd.f32 v9, v4  }
0xa8: {  	s4 =	sor.u32 s23, s4;
	v9 =	vld [tilespmem:s18+$0x100]  }
0xa9: {  	[tilespmem:s31+$0x80] =	vst v8;
	v8 =	vld [tilespmem:s4+$0x0];
	s4 =	sor.u32 s23, s6  }
0xaa: {  	v23 =	vld [tilespmem:s4+$0x0]  }
0xab: {  	v22 =	vld [tilespmem:s22+$0x180]  }
0xac: {  	v15 =	vld.idx.msk [tilespmem:v15+s19+$0x0], $0xffff  }
0xad: {  	v17 =	vld.idx.msk [tilespmem:v17+s19+$0x0], $0xffff  }
0xae: {  	v21 =	vld.idx.msk [tilespmem:v21+s19+$0x0], $0xffff  }
0xaf: {  	v20 =	vld.idx.msk [tilespmem:v20+s19+$0x0], $0xffff  }
0xb0: {  	s6 =	sadd.s32 $0x1B700, s6;
	v19 =	vadd.f32 v19, v5;
	v9 =	vld.idx.msk [tilespmem:v9+s19+$0x0], $0xffff  }
0xb1: {  	s22 =	sor.u32 s8, s6;
	v14 =	vadd.f32 v15, v2;
	v15 =	vld [tilespmem:s20+$0x100]  }
0xb2: {  	[tilespmem:s22+$0x0] =	vst v19;
	v23 =	vld.idx.msk [tilespmem:v23+s19+$0x0], $0xffff  }
0xb3: {  	v19 =	vld [tilespmem:s2+$0x80];
	v21 =	vadd.f32 v21, v12  }
0xb4: {  	s28 =	sor.u32 s9, s6;
	v20 =	vadd.f32 v20, v7;
	v22 =	vld.idx.msk [tilespmem:v22+s19+$0x0], $0xffff;
	[tilespmem:s29+$0x100] =	vst v14  }
0xb5: {  	[tilespmem:s28+$0x0] =	vst v21;
	v14 =	vld [tilespmem:s17+$0x180];
	s17 =	sor.u32 s5, s6;
	v9 =	vadd.f32 v9, v3  }
0xb6: {  	v21 =	vld [tilespmem:s1+$0x80];
	[tilespmem:s17+$0x0] =	vst v20  }
0xb7: {  	v20 =	vld [tilespmem:s0+$0x80];
	[tilespmem:s30+$0x100] =	vst v9;
	v23 =	vadd.f32 v23, v8  }
0xb8: {  	v9 =	vld [tilespmem:s18+$0x180];
	s18 =	sor.u32 s23, s6  }
0xb9: {  	v15 =	vld.idx.msk [tilespmem:v15+s19+$0x0], $0xffff;
	[tilespmem:s18+$0x0] =	vst v23  }
0xba: {  	v10 =	vadd.f32 v16, v10;
	v16 =	vld [tilespmem:s4+$0x80];
	_ =	sdelay $0x1  }
0xbb: {  	v11 =	vadd.f32 v17, v11;
	v19 =	vld.idx.msk [tilespmem:v19+s19+$0x0], $0xffff  }
0xbc: {  	[tilespmem:s7+$0x180] =	vst v10;
	v10 =	vld.idx.msk [tilespmem:v18+s19+$0x0], $0xffff;
	v13 =	vadd.f32 v22, v13  }
0xbd: {  	[tilespmem:s16+$0x180] =	vst v11;
	v15 =	vadd.f32 v15, v4  }
0xbe: {  	[tilespmem:s24+$0x180] =	vst v13;
	v13 =	vld.idx.msk [tilespmem:v21+s19+$0x0], $0xffff  }
0xbf: {  	v11 =	vld.idx.msk [tilespmem:v20+s19+$0x0], $0xffff;
	[tilespmem:s31+$0x100] =	vst v15  }
0xc0: {  	s7 =	simm.s32 $0x8;
	v17 =	vadd.f32 v19, v5;
	v15 =	vld [tilespmem:s20+$0x180]  }
.LBB2_2:
0xc1: {  	s7 =	sadd.s32 $0x4, s7;
	v16 =	vld.idx.msk [tilespmem:v16+s19+$0x0], $0xffff;
	s21 =	sadd.s32 $0x40, s21;
	v10 =	vadd.f32 v10, v0;
	v0 =	vmov v3;
	v3 =	vmov v12  }
0xc2: {  	s23 =	sand.u32 $0x40, s21;
	s5 =	sshll.u32 s7, $0x6;
	p0 =	slt.u32 s7, $0x7C;
	[tilespmem:s22+$0x80] =	vst v17;
	v12 =	vld.idx.msk [tilespmem:v6+s19+$0x0], $0xffff  }
0xc3: {  	s10 =	sand.u32 $0x3FFFFE00, s5;
	s5 =	sor.u32 $0x10, s23;
	s6 =	sor.u32 $0x30, s23;
	v17 =	vld [tilespmem:s2+$0x100];
	[tilespmem:s26+$0x180] =	vst v10  }
0xc4: {  	s9 =	sor.u32 $0x20, s23;
	v10 =	vadd.f32 v11, v7;
	s20 =	sor.u32 s23, s10;
	s8 =	sor.u32 s6, s10;
	v11 =	vld.idx.msk [tilespmem:v14+s19+$0x0], $0xffff  }
0xc5: {  	s26 =	smov.u32 s30;
	s24 =	sor.u32 s5, s10;
	s16 =	sor.u32 s9, s10;
	v13 =	vadd.f32 v13, v3;
	v14 =	vld [tilespmem:s8+$0x0];
	v6 =	vmov v15  }
0xc6: {  	s30 =	smov.u32 s28;
	v15 =	vld [tilespmem:s20+$0x0];
	[tilespmem:s17+$0x80] =	vst v10  }
0xc7: {  	v10 =	vld [tilespmem:s24+$0x0];
	[tilespmem:s30+$0x80] =	vst v13;
	v13 =	vadd.f32 v16, v8  }
0xc8: {  	v12 =	vadd.f32 v12, v1;
	v1 =	vmov v4;
	v4 =	vmov v8;
	v16 =	vld [tilespmem:s16+$0x0]  }
0xc9: {  	v18 =	vld [tilespmem:s0+$0x100];
	[tilespmem:s18+$0x80] =	vst v13  }
0xca: {  	s28 =	sshll.u32 s7, $0x5;
	v8 =	vadd.f32 v11, v2;
	v2 =	vmov v7;
	v13 =	vld [tilespmem:s1+$0x100];
	[tilespmem:s25+$0x180] =	vst v12;
	s25 =	smov.u32 s31;
	s31 =	smov.u32 s18  }
0xcb: {  	s18 =	sand.u32 $0x3FFFFF00, s28;
	v7 =	vld.idx.msk [tilespmem:v17+s19+$0x0], $0xffff  }
0xcc: {  	s18 =	sadd.s32 $0x1A700, s18;
	v11 =	vld [tilespmem:s4+$0x100];
	[tilespmem:s29+$0x180] =	vst v8;
	s29 =	smov.u32 s17  }
0xcd: {  	s17 =	sor.u32 s23, s18;
	s28 =	sor.u32 s5, s18;
	s11 =	sor.u32 s6, s18;
	v8 =	vld.idx.msk [tilespmem:v14+s19+$0x0], $0xffff  }
0xce: {  	s18 =	sor.u32 s9, s18;
	v17 =	vld [tilespmem:s11+$0x0]  }
0xcf: {  	v14 =	vld.idx.msk [tilespmem:v15+s19+$0x0], $0xffff  }
0xd0: {  	v10 =	vld.idx.msk [tilespmem:v10+s19+$0x0], $0xffff  }
0xd1: {  	v15 =	vld.idx.msk [tilespmem:v16+s19+$0x0], $0xffff;
	v16 =	vadd.f32 v7, v5  }
0xd2: {  	v7 =	vld [tilespmem:s17+$0x0]  }
0xd3: {  	s10 =	sadd.s32 $0x1B700, s10;
	v12 =	vld [tilespmem:s28+$0x0];
	v19 =	vadd.f32 v8, v17;
	[tilespmem:s22+$0x100] =	vst v16  }
0xd4: {  	s17 =	sor.u32 s23, s10;
	s28 =	sor.u32 s5, s10;
	s5 =	sor.u32 s6, s10;
	v16 =	vld [tilespmem:s2+$0x180]  }
0xd5: {  	s2 =	smov.u32 s8;
	v8 =	vld [tilespmem:s18+$0x0];
	s18 =	sor.u32 s9, s10;
	[tilespmem:s5+$0x0] =	vst v19  }
0xd6: {  	v19 =	vld [tilespmem:s2+$0x80]  }
0xd7: {  	v14 =	vadd.f32 v14, v7;
	v18 =	vld.idx.msk [tilespmem:v18+s19+$0x0], $0xffff  }
0xd8: {  	v10 =	vadd.f32 v10, v12;
	v13 =	vld.idx.msk [tilespmem:v13+s19+$0x0], $0xffff  }
0xd9: {  	[tilespmem:s17+$0x0] =	vst v14;
	v11 =	vld.idx.msk [tilespmem:v11+s19+$0x0], $0xffff  }
0xda: {  	v20 =	vld [tilespmem:s20+$0x80];
	[tilespmem:s28+$0x0] =	vst v10;
	v10 =	vadd.f32 v15, v8  }
0xdb: {  	v15 =	vld [tilespmem:s24+$0x80]  }
0xdc: {  	[tilespmem:s18+$0x0] =	vst v10;
	v21 =	vld.idx.msk [tilespmem:v16+s19+$0x0], $0xffff  }
0xdd: {  	v10 =	vadd.f32 v18, v2;
	v16 =	vld [tilespmem:s16+$0x80]  }
0xde: {  	v13 =	vadd.f32 v13, v3;
	v18 =	vld.idx.msk [tilespmem:v19+s19+$0x0], $0xffff  }
0xdf: {  	v11 =	vadd.f32 v11, v4;
	[tilespmem:s29+$0x100] =	vst v10;
	v10 =	vld.idx.msk [tilespmem:v9+s19+$0x0], $0xffff  }
.Ltmp0:
0xe0: {  	v14 =	vld [tilespmem:s0+$0x180];
	[tilespmem:s30+$0x100] =	vst v13;
	s0 =	smov.u32 s20;
	(pc) =	sbr.rel @p0 .LBB2_2-.Ltmp0, $4  }
0xe1: {  	v9 =	vld [tilespmem:s1+$0x180];
	[tilespmem:s31+$0x100] =	vst v11;
	s1 =	smov.u32 s24  }
0xe2: {  	v19 =	vadd.f32 v21, v5;
	v5 =	vmov v17;
	v11 =	vld.idx.msk [tilespmem:v20+s19+$0x0], $0xffff  }
0xe3: {  	v13 =	vld.idx.msk [tilespmem:v15+s19+$0x0], $0xffff  }
0xe4: {  	v17 =	vadd.f32 v18, v5;
	v15 =	vld [tilespmem:s4+$0x180];
	[tilespmem:s22+$0x180] =	vst v19;
	s4 =	smov.u32 s16;
	s22 =	smov.u32 s5  }
0xe5: {  	_ =	sdelay $0x3  }
0xe6: {  	v16 =	vld.idx.msk [tilespmem:v16+s19+$0x0], $0xffff;
	_ =	sdelay $0x1  }
0xe7: {  	[tilespmem:s22+$0x80] =	vst v17  }
0xe8: {  	v17 =	vld [tilespmem:s2+$0x100];
	v11 =	vadd.f32 v11, v7  }
0xe9: {  	v13 =	vadd.f32 v13, v12  }
0xea: {  	[tilespmem:s17+$0x80] =	vst v11;
	v11 =	vadd.f32 v16, v8  }
0xeb: {  	[tilespmem:s28+$0x80] =	vst v13;
	v13 =	vld [tilespmem:s0+$0x100]  }
0xec: {  	[tilespmem:s18+$0x80] =	vst v11;
	v11 =	vld [tilespmem:s1+$0x100]  }
0xed: {  	v16 =	vld [tilespmem:s4+$0x100];
	_ =	sdelay $0x2  }
0xee: {  	v17 =	vld.idx.msk [tilespmem:v17+s19+$0x0], $0xffff;
	_ =	sdelay $0x2  }
0xef: {  	v13 =	vld.idx.msk [tilespmem:v13+s19+$0x0], $0xffff  }
0xf0: {  	v11 =	vld.idx.msk [tilespmem:v11+s19+$0x0], $0xffff  }
0xf1: {  	v17 =	vadd.f32 v17, v5;
	v16 =	vld.idx.msk [tilespmem:v16+s19+$0x0], $0xffff;
	_ =	sdelay $0x1  }
0xf2: {  	[tilespmem:s22+$0x100] =	vst v17  }
0xf3: {  	v17 =	vld [tilespmem:s2+$0x180];
	v13 =	vadd.f32 v13, v7  }
0xf4: {  	v11 =	vadd.f32 v11, v12  }
0xf5: {  	[tilespmem:s17+$0x100] =	vst v13;
	v13 =	vadd.f32 v16, v8  }
0xf6: {  	v16 =	vld [tilespmem:s0+$0x180];
	[tilespmem:s28+$0x100] =	vst v11  }
0xf7: {  	v11 =	vld [tilespmem:s1+$0x180];
	[tilespmem:s18+$0x100] =	vst v13  }
0xf8: {  	v13 =	vld [tilespmem:s4+$0x180]  }
0xf9: {  	v6 =	vld.idx.msk [tilespmem:v6+s19+$0x0], $0xffff  }
0xfa: {  	v14 =	vld.idx.msk [tilespmem:v14+s19+$0x0], $0xffff  }
0xfb: {  	v17 =	vld.idx.msk [tilespmem:v17+s19+$0x0], $0xffff  }
0xfc: {  	v9 =	vld.idx.msk [tilespmem:v9+s19+$0x0], $0xffff  }
0xfd: {  	v0 =	vadd.f32 v10, v0;
	v10 =	vld.idx.msk [tilespmem:v15+s19+$0x0], $0xffff  }
0xfe: {  	v1 =	vadd.f32 v6, v1;
	v6 =	vld.idx.msk [tilespmem:v16+s19+$0x0], $0xffff  }
0xff: {  	[tilespmem:s26+$0x180] =	vst v0;
	v0 =	vadd.f32 v14, v2;
	v2 =	vld.idx.msk [tilespmem:v11+s19+$0x0], $0xffff  }
0x100: {  	[tilespmem:s25+$0x180] =	vst v1;
	v1 =	vadd.f32 v17, v5;
	v5 =	vld.idx.msk [tilespmem:v13+s19+$0x0], $0xffff  }
0x101: {  	[tilespmem:s29+$0x180] =	vst v0;
	v0 =	vadd.f32 v9, v3  }
0x102: {  	[tilespmem:s22+$0x180] =	vst v1;
	v1 =	vadd.f32 v10, v4  }
0x103: {  	[tilespmem:s30+$0x180] =	vst v0;
	v0 =	vadd.f32 v6, v7  }
0x104: {  	[tilespmem:s31+$0x180] =	vst v1;
	v1 =	vadd.f32 v2, v12  }
0x105: {  	[tilespmem:s17+$0x180] =	vst v0;
	v0 =	vadd.f32 v5, v8  }
0x106: {  	[tilespmem:s28+$0x180] =	vst v1  }
0x107: {  	[tilespmem:s18+$0x180] =	vst v0  }
0x108: {  	s9 =	simm.s32 $0x80;
	s10 =	simm.s32 $0x400;
	s8 =	rddreg [dreg:$0x8]  }
0x109: {  	[tilespmem:s19], [sflag:$0x1] =	stream.strided.gather [hbm4b:s8+s9], $0x18700, s10, s9, $0x38;
	[tilespmem:$0x1F700] =	vst v63  }
0x10a: {  	s11 =	simm.s32 $0x1B700;
	s0 =	simm.s32 $0x0;
	s2 =	rddreg [dreg:$0x9]  }
0x10b: {  	[hbm4b:s2+s0] =	stream.linear.scatter [tilespmem:s11], [sflag:$0x2], $0x80, $0x38;
	[tilespmem:$0x1F700] =	vst v63  }
0x10c: {  	s17 =	simm.s32 $0x1B900;
	s16 =	sadd.s32 $0x80, s2  }
0x10d: {  	[hbm4b:s16+s0] =	stream.linear.scatter [tilespmem:s17], [sflag:$0x2], $0x80, $0x38;
	[tilespmem:$0x1F700] =	vst v63  }
0x10e: {  	s20 =	simm.s32 $0x1BB00;
	s18 =	sadd.s32 $0x100, s2  }
0x10f: {  	[hbm4b:s18+s0] =	stream.linear.scatter [tilespmem:s20], [sflag:$0x2], $0x80, $0x38;
	[tilespmem:$0x1F700] =	vst v63  }
0x110: {  	s22 =	simm.s32 $0x1BD00;
	s21 =	sadd.s32 $0x180, s2  }
0x111: {  	[hbm4b:s21+s0] =	stream.linear.scatter [tilespmem:s22], [sflag:$0x2], $0x80, $0x38;
	[tilespmem:$0x1F700] =	vst v63  }
0x112: {  	s24 =	simm.s32 $0x1BF00;
	s23 =	sadd.s32 $0x200, s2  }
0x113: {  	[hbm4b:s23+s0] =	stream.linear.scatter [tilespmem:s24], [sflag:$0x2], $0x80, $0x38;
	[tilespmem:$0x1F700] =	vst v63  }
0x114: {  	s26 =	simm.s32 $0x1C100;
	s25 =	sadd.s32 $0x280, s2  }
0x115: {  	[hbm4b:s25+s0] =	stream.linear.scatter [tilespmem:s26], [sflag:$0x2], $0x80, $0x38;
	[tilespmem:$0x1F700] =	vst v63  }
0x116: {  	s5 =	simm.s32 $0x1C300;
	s4 =	sadd.s32 $0x300, s2  }
0x117: {  	[hbm4b:s4+s0] =	stream.linear.scatter [tilespmem:s5], [sflag:$0x2], $0x80, $0x38;
	[tilespmem:$0x1F700] =	vst v63  }
0x118: {  	s7 =	simm.s32 $0x1C500;
	s6 =	sadd.s32 $0x380, s2  }
0x119: {  	[hbm4b:s6+s0] =	stream.linear.scatter [tilespmem:s7], [sflag:$0x2], $0x80, $0x38;
	[tilespmem:$0x1F700] =	vst v63  }
0x11a: {  	s8 =	sadd.s32 $0x400, s2;
	s9 =	simm.s32 $0x1C700  }
0x11b: {  	[hbm4b:s8+s0] =	stream.linear.scatter [tilespmem:s9], [sflag:$0x2], $0x80, $0x38;
	[tilespmem:$0x1F700] =	vst v63  }
0x11c: {  	s10 =	sadd.s32 $0x480, s2;
	s11 =	simm.s32 $0x1C900  }
0x11d: {  	[hbm4b:s10+s0] =	stream.linear.scatter [tilespmem:s11], [sflag:$0x2], $0x80, $0x38;
	[tilespmem:$0x1F700] =	vst v63  }
0x11e: {  	s16 =	sadd.s32 $0x500, s2;
	s17 =	simm.s32 $0x1CB00  }
0x11f: {  	[hbm4b:s16+s0] =	stream.linear.scatter [tilespmem:s17], [sflag:$0x2], $0x80, $0x38;
	[tilespmem:$0x1F700] =	vst v63  }
0x120: {  	s18 =	sadd.s32 $0x580, s2;
	s20 =	simm.s32 $0x1CD00  }
0x121: {  	[hbm4b:s18+s0] =	stream.linear.scatter [tilespmem:s20], [sflag:$0x2], $0x80, $0x38;
	[tilespmem:$0x1F700] =	vst v63  }
0x122: {  	s21 =	sadd.s32 $0x600, s2;
	s22 =	simm.s32 $0x1CF00  }
0x123: {  	[hbm4b:s21+s0] =	stream.linear.scatter [tilespmem:s22], [sflag:$0x2], $0x80, $0x38;
	[tilespmem:$0x1F700] =	vst v63  }
0x124: {  	s23 =	sadd.s32 $0x680, s2;
	s24 =	simm.s32 $0x1D100  }
0x125: {  	[hbm4b:s23+s0] =	stream.linear.scatter [tilespmem:s24], [sflag:$0x2], $0x80, $0x38;
	[tilespmem:$0x1F700] =	vst v63  }
0x126: {  	s25 =	sadd.s32 $0x700, s2;
	s26 =	simm.s32 $0x1D300  }
0x127: {  	[hbm4b:s25+s0] =	stream.linear.scatter [tilespmem:s26], [sflag:$0x2], $0x80, $0x38;
	[tilespmem:$0x1F700] =	vst v63  }
0x128: {  	s5 =	sadd.s32 $0x780, s2;
	s6 =	simm.s32 $0x1D500  }
0x129: {  	[hbm4b:s5+s0] =	stream.linear.scatter [tilespmem:s6], [sflag:$0x2], $0x80, $0x38;
	[tilespmem:$0x1F700] =	vst v63  }
0x12a: {  	s2 =	rddreg [dreg:$0xa];
	s7 =	simm.s32 $0x1B780  }
0x12b: {  	[hbm4b:s2+s0] =	stream.linear.scatter [tilespmem:s7], [sflag:$0x2], $0x80, $0x38;
	[tilespmem:$0x1F700] =	vst v63  }
0x12c: {  	s8 =	sadd.s32 $0x80, s2;
	s9 =	simm.s32 $0x1B980  }
0x12d: {  	[hbm4b:s8+s0] =	stream.linear.scatter [tilespmem:s9], [sflag:$0x2], $0x80, $0x38;
	[tilespmem:$0x1F700] =	vst v63  }
0x12e: {  	s10 =	sadd.s32 $0x100, s2;
	s11 =	simm.s32 $0x1BB80  }
0x12f: {  	[hbm4b:s10+s0] =	stream.linear.scatter [tilespmem:s11], [sflag:$0x2], $0x80, $0x38;
	[tilespmem:$0x1F700] =	vst v63  }
0x130: {  	s16 =	sadd.s32 $0x180, s2;
	s17 =	simm.s32 $0x1BD80  }
0x131: {  	[hbm4b:s16+s0] =	stream.linear.scatter [tilespmem:s17], [sflag:$0x2], $0x80, $0x38;
	[tilespmem:$0x1F700] =	vst v63  }
0x132: {  	s18 =	sadd.s32 $0x200, s2;
	s20 =	simm.s32 $0x1BF80  }
0x133: {  	[hbm4b:s18+s0] =	stream.linear.scatter [tilespmem:s20], [sflag:$0x2], $0x80, $0x38;
	[tilespmem:$0x1F700] =	vst v63  }
0x134: {  	s21 =	sadd.s32 $0x280, s2;
	s22 =	simm.s32 $0x1C180  }
0x135: {  	[hbm4b:s21+s0] =	stream.linear.scatter [tilespmem:s22], [sflag:$0x2], $0x80, $0x38;
	[tilespmem:$0x1F700] =	vst v63  }
0x136: {  	s23 =	sadd.s32 $0x300, s2;
	s24 =	simm.s32 $0x1C380  }
0x137: {  	[hbm4b:s23+s0] =	stream.linear.scatter [tilespmem:s24], [sflag:$0x2], $0x80, $0x38;
	[tilespmem:$0x1F700] =	vst v63  }
0x138: {  	s25 =	sadd.s32 $0x380, s2;
	s26 =	simm.s32 $0x1C580  }
0x139: {  	[hbm4b:s25+s0] =	stream.linear.scatter [tilespmem:s26], [sflag:$0x2], $0x80, $0x38;
	[tilespmem:$0x1F700] =	vst v63  }
0x13a: {  	s5 =	sadd.s32 $0x400, s2;
	s6 =	simm.s32 $0x1C780  }
0x13b: {  	[hbm4b:s5+s0] =	stream.linear.scatter [tilespmem:s6], [sflag:$0x2], $0x80, $0x38;
	[tilespmem:$0x1F700] =	vst v63  }
0x13c: {  	s7 =	sadd.s32 $0x480, s2;
	s8 =	simm.s32 $0x1C980  }
0x13d: {  	[hbm4b:s7+s0] =	stream.linear.scatter [tilespmem:s8], [sflag:$0x2], $0x80, $0x38;
	[tilespmem:$0x1F700] =	vst v63  }
0x13e: {  	s9 =	sadd.s32 $0x500, s2;
	s10 =	simm.s32 $0x1CB80  }
0x13f: {  	[hbm4b:s9+s0] =	stream.linear.scatter [tilespmem:s10], [sflag:$0x2], $0x80, $0x38;
	[tilespmem:$0x1F700] =	vst v63  }
0x140: {  	s11 =	sadd.s32 $0x580, s2;
	s16 =	simm.s32 $0x1CD80  }
0x141: {  	[hbm4b:s11+s0] =	stream.linear.scatter [tilespmem:s16], [sflag:$0x2], $0x80, $0x38;
	[tilespmem:$0x1F700] =	vst v63  }
0x142: {  	s17 =	sadd.s32 $0x600, s2;
	s18 =	simm.s32 $0x1CF80  }
0x143: {  	[hbm4b:s17+s0] =	stream.linear.scatter [tilespmem:s18], [sflag:$0x2], $0x80, $0x38;
	[tilespmem:$0x1F700] =	vst v63  }
0x144: {  	s20 =	sadd.s32 $0x680, s2;
	s21 =	simm.s32 $0x1D180  }
0x145: {  	[hbm4b:s20+s0] =	stream.linear.scatter [tilespmem:s21], [sflag:$0x2], $0x80, $0x38;
	[tilespmem:$0x1F700] =	vst v63  }
0x146: {  	s22 =	sadd.s32 $0x700, s2;
	s23 =	simm.s32 $0x1D380  }
0x147: {  	[hbm4b:s22+s0] =	stream.linear.scatter [tilespmem:s23], [sflag:$0x2], $0x80, $0x38;
	[tilespmem:$0x1F700] =	vst v63  }
0x148: {  	s24 =	sadd.s32 $0x780, s2;
	s25 =	simm.s32 $0x1D580  }
0x149: {  	[hbm4b:s24+s0] =	stream.linear.scatter [tilespmem:s25], [sflag:$0x2], $0x80, $0x38;
	[tilespmem:$0x1F700] =	vst v63  }
0x14a: {  	s2 =	rddreg [dreg:$0xb];
	s26 =	simm.s32 $0x1B800  }
0x14b: {  	[hbm4b:s2+s0] =	stream.linear.scatter [tilespmem:s26], [sflag:$0x2], $0x80, $0x38;
	[tilespmem:$0x1F700] =	vst v63  }
0x14c: {  	s4 =	sadd.s32 $0x80, s2;
	s5 =	simm.s32 $0x1BA00  }
0x14d: {  	[hbm4b:s4+s0] =	stream.linear.scatter [tilespmem:s5], [sflag:$0x2], $0x80, $0x38;
	[tilespmem:$0x1F700] =	vst v63  }
0x14e: {  	s6 =	sadd.s32 $0x100, s2;
	s7 =	simm.s32 $0x1BC00  }
0x14f: {  	[hbm4b:s6+s0] =	stream.linear.scatter [tilespmem:s7], [sflag:$0x2], $0x80, $0x38;
	[tilespmem:$0x1F700] =	vst v63  }
0x150: {  	s8 =	sadd.s32 $0x180, s2;
	s9 =	simm.s32 $0x1BE00  }
0x151: {  	[hbm4b:s8+s0] =	stream.linear.scatter [tilespmem:s9], [sflag:$0x2], $0x80, $0x38;
	[tilespmem:$0x1F700] =	vst v63  }
0x152: {  	s10 =	sadd.s32 $0x200, s2;
	s11 =	simm.s32 $0x1C000  }
0x153: {  	[hbm4b:s10+s0] =	stream.linear.scatter [tilespmem:s11], [sflag:$0x2], $0x80, $0x38;
	[tilespmem:$0x1F700] =	vst v63  }
0x154: {  	s16 =	sadd.s32 $0x280, s2;
	s17 =	simm.s32 $0x1C200  }
0x155: {  	[hbm4b:s16+s0] =	stream.linear.scatter [tilespmem:s17], [sflag:$0x2], $0x80, $0x38;
	[tilespmem:$0x1F700] =	vst v63  }
0x156: {  	s18 =	sadd.s32 $0x300, s2;
	s20 =	simm.s32 $0x1C400  }
0x157: {  	[hbm4b:s18+s0] =	stream.linear.scatter [tilespmem:s20], [sflag:$0x2], $0x80, $0x38;
	[tilespmem:$0x1F700] =	vst v63  }
0x158: {  	s21 =	sadd.s32 $0x380, s2;
	s22 =	simm.s32 $0x1C600  }
0x159: {  	[hbm4b:s21+s0] =	stream.linear.scatter [tilespmem:s22], [sflag:$0x2], $0x80, $0x38;
	[tilespmem:$0x1F700] =	vst v63  }
0x15a: {  	s23 =	sadd.s32 $0x400, s2;
	s24 =	simm.s32 $0x1C800  }
0x15b: {  	[hbm4b:s23+s0] =	stream.linear.scatter [tilespmem:s24], [sflag:$0x2], $0x80, $0x38;
	[tilespmem:$0x1F700] =	vst v63  }
0x15c: {  	s25 =	sadd.s32 $0x480, s2;
	s26 =	simm.s32 $0x1CA00  }
0x15d: {  	[hbm4b:s25+s0] =	stream.linear.scatter [tilespmem:s26], [sflag:$0x2], $0x80, $0x38;
	[tilespmem:$0x1F700] =	vst v63  }
0x15e: {  	s5 =	sadd.s32 $0x500, s2;
	s6 =	simm.s32 $0x1CC00  }
0x15f: {  	[hbm4b:s5+s0] =	stream.linear.scatter [tilespmem:s6], [sflag:$0x2], $0x80, $0x38;
	[tilespmem:$0x1F700] =	vst v63  }
0x160: {  	s7 =	sadd.s32 $0x580, s2;
	s8 =	simm.s32 $0x1CE00  }
0x161: {  	[hbm4b:s7+s0] =	stream.linear.scatter [tilespmem:s8], [sflag:$0x2], $0x80, $0x38;
	[tilespmem:$0x1F700] =	vst v63  }
0x162: {  	s9 =	sadd.s32 $0x600, s2;
	s10 =	simm.s32 $0x1D000  }
0x163: {  	[hbm4b:s9+s0] =	stream.linear.scatter [tilespmem:s10], [sflag:$0x2], $0x80, $0x38;
	[tilespmem:$0x1F700] =	vst v63  }
0x164: {  	s11 =	sadd.s32 $0x680, s2;
	s16 =	simm.s32 $0x1D200  }
0x165: {  	[hbm4b:s11+s0] =	stream.linear.scatter [tilespmem:s16], [sflag:$0x2], $0x80, $0x38;
	[tilespmem:$0x1F700] =	vst v63  }
0x166: {  	s17 =	sadd.s32 $0x700, s2;
	s18 =	simm.s32 $0x1D400  }
0x167: {  	[hbm4b:s17+s0] =	stream.linear.scatter [tilespmem:s18], [sflag:$0x2], $0x80, $0x38;
	[tilespmem:$0x1F700] =	vst v63  }
0x168: {  	s20 =	sadd.s32 $0x780, s2;
	s21 =	simm.s32 $0x1D600  }
0x169: {  	[hbm4b:s20+s0] =	stream.linear.scatter [tilespmem:s21], [sflag:$0x2], $0x80, $0x38;
	[tilespmem:$0x1F700] =	vst v63  }
0x16a: {  	s2 =	rddreg [dreg:$0xc];
	s22 =	simm.s32 $0x1B880  }
0x16b: {  	[hbm4b:s2+s0] =	stream.linear.scatter [tilespmem:s22], [sflag:$0x2], $0x80, $0x38;
	[tilespmem:$0x1F700] =	vst v63  }
0x16c: {  	s23 =	sadd.s32 $0x80, s2;
	s24 =	simm.s32 $0x1BA80  }
0x16d: {  	[hbm4b:s23+s0] =	stream.linear.scatter [tilespmem:s24], [sflag:$0x2], $0x80, $0x38;
	[tilespmem:$0x1F700] =	vst v63  }
0x16e: {  	s25 =	sadd.s32 $0x100, s2;
	s26 =	simm.s32 $0x1BC80  }
0x16f: {  	[hbm4b:s25+s0] =	stream.linear.scatter [tilespmem:s26], [sflag:$0x2], $0x80, $0x38;
	[tilespmem:$0x1F700] =	vst v63  }
0x170: {  	s4 =	sadd.s32 $0x180, s2;
	s5 =	simm.s32 $0x1BE80  }
0x171: {  	[hbm4b:s4+s0] =	stream.linear.scatter [tilespmem:s5], [sflag:$0x2], $0x80, $0x38;
	[tilespmem:$0x1F700] =	vst v63  }
0x172: {  	s6 =	sadd.s32 $0x200, s2;
	s7 =	simm.s32 $0x1C080  }
0x173: {  	[hbm4b:s6+s0] =	stream.linear.scatter [tilespmem:s7], [sflag:$0x2], $0x80, $0x38;
	[tilespmem:$0x1F700] =	vst v63  }
0x174: {  	s8 =	sadd.s32 $0x280, s2;
	s9 =	simm.s32 $0x1C280  }
0x175: {  	[hbm4b:s8+s0] =	stream.linear.scatter [tilespmem:s9], [sflag:$0x2], $0x80, $0x38;
	[tilespmem:$0x1F700] =	vst v63  }
0x176: {  	s10 =	sadd.s32 $0x300, s2;
	s11 =	simm.s32 $0x1C480  }
0x177: {  	[hbm4b:s10+s0] =	stream.linear.scatter [tilespmem:s11], [sflag:$0x2], $0x80, $0x38;
	[tilespmem:$0x1F700] =	vst v63  }
0x178: {  	s16 =	sadd.s32 $0x380, s2;
	s17 =	simm.s32 $0x1C680  }
0x179: {  	[hbm4b:s16+s0] =	stream.linear.scatter [tilespmem:s17], [sflag:$0x2], $0x80, $0x38;
	[tilespmem:$0x1F700] =	vst v63  }
0x17a: {  	s18 =	sadd.s32 $0x400, s2;
	s20 =	simm.s32 $0x1C880  }
0x17b: {  	[hbm4b:s18+s0] =	stream.linear.scatter [tilespmem:s20], [sflag:$0x2], $0x80, $0x38;
	[tilespmem:$0x1F700] =	vst v63  }
0x17c: {  	s21 =	sadd.s32 $0x480, s2;
	s22 =	simm.s32 $0x1CA80  }
0x17d: {  	[hbm4b:s21+s0] =	stream.linear.scatter [tilespmem:s22], [sflag:$0x2], $0x80, $0x38;
	[tilespmem:$0x1F700] =	vst v63  }
0x17e: {  	s23 =	sadd.s32 $0x500, s2;
	s24 =	simm.s32 $0x1CC80  }
0x17f: {  	[hbm4b:s23+s0] =	stream.linear.scatter [tilespmem:s24], [sflag:$0x2], $0x80, $0x38;
	[tilespmem:$0x1F700] =	vst v63  }
0x180: {  	s25 =	sadd.s32 $0x580, s2;
	s26 =	simm.s32 $0x1CE80  }
0x181: {  	[hbm4b:s25+s0] =	stream.linear.scatter [tilespmem:s26], [sflag:$0x2], $0x80, $0x38;
	[tilespmem:$0x1F700] =	vst v63  }
0x182: {  	s5 =	sadd.s32 $0x600, s2;
	s6 =	simm.s32 $0x1D080  }
0x183: {  	[hbm4b:s5+s0] =	stream.linear.scatter [tilespmem:s6], [sflag:$0x2], $0x80, $0x38;
	[tilespmem:$0x1F700] =	vst v63  }
0x184: {  	s7 =	sadd.s32 $0x680, s2;
	s8 =	simm.s32 $0x1D280  }
0x185: {  	[hbm4b:s7+s0] =	stream.linear.scatter [tilespmem:s8], [sflag:$0x2], $0x80, $0x38;
	[tilespmem:$0x1F700] =	vst v63  }
0x186: {  	s9 =	sadd.s32 $0x700, s2;
	s10 =	simm.s32 $0x1D480  }
0x187: {  	[hbm4b:s9+s0] =	stream.linear.scatter [tilespmem:s10], [sflag:$0x2], $0x80, $0x38;
	[tilespmem:$0x1F700] =	vst v63  }
0x188: {  	s11 =	sadd.s32 $0x780, s2;
	s16 =	simm.s32 $0x1D680;
	s17 =	simm.s32 $0x1  }
0x189: {  	[hbm4b:s11+s0] =	stream.linear.scatter [tilespmem:s16], [sflag:$0x2], $0x80, $0x38;
	[tilespmem:$0x1F700] =	vst v63  }
0x18a: {  	s18 =	simm.s32 $0x0;
	s5 =	sand.u32 $0x40, s0;
	_ =	swait.ge [sflag:s17], $0x18700  }
0x18b: {  	s6 =	sand.u32 $0x3FFFFE00, s18;
	s7 =	sor.u32 $0x30, s5;
	[sflag:s17] =	ssyncset.done $0x0  }
0x18c: {  	s8 =	sor.u32 $0x10, s5;
	s1 =	sor.u32 s7, s6;
	[sflag:s17] =	ssyncadd.s32 $0xFFFE7900  }
0x18d: {  	s22 =	simm.s32 $0x40;
	s2 =	sor.u32 s8, s6;
	s10 =	simm.s32 $0x0;
	v0 =	vld [tilespmem:s1+$0x0]  }
0x18e: {  	s23 =	simm.s32 $0x100;
	s9 =	sor.u32 $0x20, s5;
	s10 =	sand.u32 $0x3FFFFF00, s10;
	v2 =	vld [tilespmem:s2+$0x0]  }
0x18f: {  	s4 =	sor.u32 s9, s6;
	s0 =	sor.u32 s5, s6;
	s10 =	sadd.s32 $0x1A700, s10  }
0x190: {  	s6 =	sadd.s32 $0x1D700, s6;
	s11 =	sor.u32 s7, s10;
	s20 =	sor.u32 s5, s10;
	v1 =	vld [tilespmem:s0+$0x0]  }
0x191: {  	s21 =	sor.u32 s8, s10;
	s16 =	sor.u32 s5, s6;
	s5 =	sand.u32 $0x40, s22;
	v3 =	vld [tilespmem:s4+$0x0]  }
0x192: {  	s26 =	sor.u32 s8, s6;
	s8 =	sand.u32 $0x3FFFFE00, s23;
	s24 =	sor.u32 $0x30, s5;
	v10 =	vld [tilespmem:s11+$0x80]  }
0x193: {  	s22 =	sor.u32 s24, s8;
	v11 =	vld [tilespmem:s20+$0x80]  }
0x194: {  	v6 =	vld [tilespmem:s22+$0x0]  }
0x195: {  	v4 =	vld.idx.msk [tilespmem:v0+s19+$0x0], $0xffff  }
0x196: {  	v2 =	vld.idx.msk [tilespmem:v2+s19+$0x0], $0xffff  }
0x197: {  	v0 =	vld [tilespmem:s21+$0x80]  }
0x198: {  	s18 =	simm.s32 $0x80;
	s10 =	sor.u32 s9, s10;
	v5 =	vld.idx.msk [tilespmem:v1+s19+$0x0], $0xffff  }
0x199: {  	s7 =	sor.u32 s7, s6;
	s25 =	sor.u32 s9, s6;
	s6 =	sand.u32 $0x3FFFFF00, s18;
	v3 =	vld.idx.msk [tilespmem:v3+s19+$0x0], $0xffff  }
0x19a: {  	s6 =	sadd.s32 $0x1A700, s6;
	v1 =	vld [tilespmem:s10+$0x80]  }
0x19b: {  	s20 =	sor.u32 s24, s6;
	v4 =	vadd.f32 v4, v10  }
0x19c: {  	v13 =	vld [tilespmem:s20+$0x80];
	v2 =	vadd.f32 v2, v0  }
0x19d: {  	v6 =	vld.idx.msk [tilespmem:v6+s19+$0x0], $0xffff;
	[tilespmem:s7+$0x0] =	vst v4;
	v4 =	vadd.f32 v5, v11  }
0x19e: {  	[tilespmem:s26+$0x0] =	vst v2;
	v5 =	vld [tilespmem:s1+$0x80]  }
0x19f: {  	v2 =	vadd.f32 v3, v1;
	v3 =	vld [tilespmem:s2+$0x80];
	[tilespmem:s16+$0x0] =	vst v4  }
0x1a0: {  	v4 =	vld [tilespmem:s0+$0x80]  }
0x1a1: {  	s9 =	sor.u32 $0x10, s5;
	s17 =	sor.u32 s5, s8;
	s11 =	sor.u32 $0x20, s5;
	[tilespmem:s25+$0x0] =	vst v2  }
0x1a2: {  	s18 =	sor.u32 s9, s8;
	s20 =	sor.u32 s11, s8;
	s8 =	sadd.s32 $0x1D700, s8;
	v6 =	vadd.f32 v6, v13;
	v2 =	vld [tilespmem:s4+$0x80]  }
0x1a3: {  	v7 =	vld [tilespmem:s17+$0x0];
	s24 =	sor.u32 s24, s8  }
0x1a4: {  	v9 =	vld [tilespmem:s18+$0x0];
	[tilespmem:s24+$0x0] =	vst v6  }
0x1a5: {  	v6 =	vld [tilespmem:s22+$0x80]  }
0x1a6: {  	v5 =	vld.idx.msk [tilespmem:v5+s19+$0x0], $0xffff  }
0x1a7: {  	v3 =	vld.idx.msk [tilespmem:v3+s19+$0x0], $0xffff  }
0x1a8: {  	v4 =	vld.idx.msk [tilespmem:v4+s19+$0x0], $0xffff;
	_ =	sdelay $0x1  }
0x1a9: {  	v8 =	vld.idx.msk [tilespmem:v2+s19+$0x0], $0xffff  }
0x1aa: {  	v7 =	vld.idx.msk [tilespmem:v7+s19+$0x0], $0xffff  }
0x1ab: {  	v9 =	vld.idx.msk [tilespmem:v9+s19+$0x0], $0xffff;
	v5 =	vadd.f32 v5, v10  }
0x1ac: {  	v3 =	vadd.f32 v3, v0;
	v2 =	vadd.f32 v4, v11;
	v4 =	vld [tilespmem:s20+$0x0]  }
0x1ad: {  	v6 =	vld.idx.msk [tilespmem:v6+s19+$0x0], $0xffff;
	[tilespmem:s7+$0x80] =	vst v5  }
0x1ae: {  	s21 =	sor.u32 s5, s6;
	v8 =	vadd.f32 v8, v1;
	[tilespmem:s26+$0x80] =	vst v3;
	v5 =	vld [tilespmem:s1+$0x100]  }
0x1af: {  	[tilespmem:s16+$0x80] =	vst v2;
	v2 =	vld [tilespmem:s21+$0x80]  }
0x1b0: {  	[tilespmem:s25+$0x80] =	vst v8;
	v8 =	vld [tilespmem:s2+$0x100]  }
0x1b1: {  	v12 =	vld [tilespmem:s0+$0x100]  }
0x1b2: {  	s21 =	sor.u32 s9, s6;
	v14 =	vld [tilespmem:s4+$0x100]  }
0x1b3: {  	v3 =	vld [tilespmem:s21+$0x80]  }
0x1b4: {  	s23 =	sor.u32 s11, s6;
	v7 =	vadd.f32 v7, v2;
	v15 =	vld.idx.msk [tilespmem:v4+s19+$0x0], $0xffff  }
0x1b5: {  	s29 =	sor.u32 s5, s8;
	v4 =	vld [tilespmem:s23+$0x80]  }
0x1b6: {  	[tilespmem:s29+$0x0] =	vst v7;
	v5 =	vld.idx.msk [tilespmem:v5+s19+$0x0], $0xffff  }
0x1b7: {  	v7 =	vld [tilespmem:s17+$0x80]  }
0x1b8: {  	v9 =	vadd.f32 v9, v3;
	v8 =	vld.idx.msk [tilespmem:v8+s19+$0x0], $0xffff  }
0x1b9: {  	s30 =	sor.u32 s9, s8;
	v12 =	vld.idx.msk [tilespmem:v12+s19+$0x0], $0xffff  }
0x1ba: {  	[tilespmem:s30+$0x0] =	vst v9;
	v9 =	vadd.f32 v15, v4  }
0x1bb: {  	s31 =	sor.u32 s11, s8;
	v6 =	vadd.f32 v6, v13;
	v14 =	vld.idx.msk [tilespmem:v14+s19+$0x0], $0xffff  }
0x1bc: {  	v15 =	vld [tilespmem:s18+$0x80];
	v5 =	vadd.f32 v5, v10;
	[tilespmem:s31+$0x0] =	vst v9  }
0x1bd: {  	[tilespmem:s24+$0x80] =	vst v6;
	v9 =	vld [tilespmem:s20+$0x80]  }
0x1be: {  	v12 =	vadd.f32 v12, v11;
	[tilespmem:s7+$0x100] =	vst v5;
	v5 =	vadd.f32 v8, v0;
	v8 =	vld [tilespmem:s22+$0x100]  }
0x1bf: {  	v16 =	vld [tilespmem:s1+$0x180]  }
0x1c0: {  	v6 =	vadd.f32 v14, v1;
	v7 =	vld.idx.msk [tilespmem:v7+s19+$0x0], $0xffff;
	[tilespmem:s16+$0x100] =	vst v12  }
0x1c1: {  	s21 =	simm.s32 $0x80;
	[tilespmem:s26+$0x100] =	vst v5;
	v17 =	vld [tilespmem:s0+$0x180]  }
0x1c2: {  	s5 =	sand.u32 $0x40, s21;
	[tilespmem:s25+$0x100] =	vst v6;
	v18 =	vld [tilespmem:s2+$0x180];
	s2 =	simm.s32 $0x200  }
0x1c3: {  	s8 =	sor.u32 $0x30, s5;
	v6 =	vld [tilespmem:s4+$0x180];
	s4 =	simm.s32 $0x100;
	s6 =	sand.u32 $0x3FFFFE00, s2  }
0x1c4: {  	s9 =	sand.u32 $0x3FFFFF00, s4;
	v14 =	vld.idx.msk [tilespmem:v15+s19+$0x0], $0xffff;
	s2 =	sor.u32 s8, s6  }
0x1c5: {  	s0 =	sor.u32 s5, s6;
	s4 =	sadd.s32 $0x1A700, s9;
	v19 =	vld [tilespmem:s2+$0x0]  }
0x1c6: {  	v20 =	vld [tilespmem:s0+$0x0];
	s10 =	sor.u32 s5, s4  }
0x1c7: {  	s9 =	sor.u32 $0x10, s5;
	v5 =	vadd.f32 v7, v2;
	v7 =	vld [tilespmem:s10+$0x80]  }
0x1c8: {  	s11 =	sor.u32 s9, s4;
	v8 =	vld.idx.msk [tilespmem:v8+s19+$0x0], $0xffff  }
0x1c9: {  	v12 =	vld [tilespmem:s11+$0x80]  }
0x1ca: {  	s1 =	sor.u32 s8, s4;
	v9 =	vld.idx.msk [tilespmem:v9+s19+$0x0], $0xffff  }
0x1cb: {  	[tilespmem:s29+$0x80] =	vst v5;
	v5 =	vld [tilespmem:s1+$0x80]  }
0x1cc: {  	v15 =	vld [tilespmem:s17+$0x100];
	v14 =	vadd.f32 v14, v3  }
0x1cd: {  	s1 =	sor.u32 s9, s6;
	v16 =	vld.idx.msk [tilespmem:v16+s19+$0x0], $0xffff;
	v8 =	vadd.f32 v8, v13  }
0x1ce: {  	v21 =	vld [tilespmem:s1+$0x0];
	[tilespmem:s30+$0x80] =	vst v14  }
0x1cf: {  	s23 =	sor.u32 $0x20, s5;
	v19 =	vld.idx.msk [tilespmem:v19+s19+$0x0], $0xffff;
	[tilespmem:s24+$0x100] =	vst v8;
	v8 =	vadd.f32 v9, v4  }
0x1d0: {  	s4 =	sor.u32 s23, s4;
	v9 =	vld [tilespmem:s18+$0x100]  }
0x1d1: {  	[tilespmem:s31+$0x80] =	vst v8;
	v8 =	vld [tilespmem:s4+$0x80];
	s4 =	sor.u32 s23, s6  }
0x1d2: {  	v23 =	vld [tilespmem:s4+$0x0]  }
0x1d3: {  	v22 =	vld [tilespmem:s22+$0x180]  }
0x1d4: {  	v15 =	vld.idx.msk [tilespmem:v15+s19+$0x0], $0xffff  }
0x1d5: {  	v17 =	vld.idx.msk [tilespmem:v17+s19+$0x0], $0xffff  }
0x1d6: {  	v21 =	vld.idx.msk [tilespmem:v21+s19+$0x0], $0xffff  }
0x1d7: {  	v20 =	vld.idx.msk [tilespmem:v20+s19+$0x0], $0xffff  }
0x1d8: {  	s6 =	sadd.s32 $0x1D700, s6;
	v19 =	vadd.f32 v19, v5;
	v9 =	vld.idx.msk [tilespmem:v9+s19+$0x0], $0xffff  }
0x1d9: {  	s22 =	sor.u32 s8, s6;
	v14 =	vadd.f32 v15, v2;
	v15 =	vld [tilespmem:s20+$0x100]  }
0x1da: {  	[tilespmem:s22+$0x0] =	vst v19;
	v23 =	vld.idx.msk [tilespmem:v23+s19+$0x0], $0xffff  }
0x1db: {  	v19 =	vld [tilespmem:s2+$0x80];
	v21 =	vadd.f32 v21, v12  }
0x1dc: {  	s28 =	sor.u32 s9, s6;
	v20 =	vadd.f32 v20, v7;
	v22 =	vld.idx.msk [tilespmem:v22+s19+$0x0], $0xffff;
	[tilespmem:s29+$0x100] =	vst v14  }
0x1dd: {  	[tilespmem:s28+$0x0] =	vst v21;
	v14 =	vld [tilespmem:s17+$0x180];
	s17 =	sor.u32 s5, s6;
	v9 =	vadd.f32 v9, v3  }
0x1de: {  	v21 =	vld [tilespmem:s1+$0x80];
	[tilespmem:s17+$0x0] =	vst v20  }
0x1df: {  	v20 =	vld [tilespmem:s0+$0x80];
	[tilespmem:s30+$0x100] =	vst v9;
	v23 =	vadd.f32 v23, v8  }
0x1e0: {  	v9 =	vld [tilespmem:s18+$0x180];
	s18 =	sor.u32 s23, s6  }
0x1e1: {  	v15 =	vld.idx.msk [tilespmem:v15+s19+$0x0], $0xffff;
	[tilespmem:s18+$0x0] =	vst v23  }
0x1e2: {  	v10 =	vadd.f32 v16, v10;
	v16 =	vld [tilespmem:s4+$0x80];
	_ =	sdelay $0x1  }
0x1e3: {  	v11 =	vadd.f32 v17, v11;
	v19 =	vld.idx.msk [tilespmem:v19+s19+$0x0], $0xffff  }
0x1e4: {  	[tilespmem:s7+$0x180] =	vst v10;
	v10 =	vld.idx.msk [tilespmem:v18+s19+$0x0], $0xffff;
	v13 =	vadd.f32 v22, v13  }
0x1e5: {  	[tilespmem:s16+$0x180] =	vst v11;
	v15 =	vadd.f32 v15, v4  }
0x1e6: {  	[tilespmem:s24+$0x180] =	vst v13;
	v13 =	vld.idx.msk [tilespmem:v21+s19+$0x0], $0xffff  }
0x1e7: {  	v11 =	vld.idx.msk [tilespmem:v20+s19+$0x0], $0xffff;
	[tilespmem:s31+$0x100] =	vst v15  }
0x1e8: {  	s7 =	simm.s32 $0x8;
	v17 =	vadd.f32 v19, v5;
	v15 =	vld [tilespmem:s20+$0x180]  }
.LBB2_4:
0x1e9: {  	s7 =	sadd.s32 $0x4, s7;
	v16 =	vld.idx.msk [tilespmem:v16+s19+$0x0], $0xffff;
	s21 =	sadd.s32 $0x40, s21;
	v10 =	vadd.f32 v10, v0;
	v0 =	vmov v3;
	v3 =	vmov v12  }
0x1ea: {  	s23 =	sand.u32 $0x40, s21;
	s5 =	sshll.u32 s7, $0x6;
	p0 =	slt.u32 s7, $0x7C;
	[tilespmem:s22+$0x80] =	vst v17;
	v12 =	vld.idx.msk [tilespmem:v6+s19+$0x0], $0xffff  }
0x1eb: {  	s10 =	sand.u32 $0x3FFFFE00, s5;
	s5 =	sor.u32 $0x10, s23;
	s6 =	sor.u32 $0x30, s23;
	v17 =	vld [tilespmem:s2+$0x100];
	[tilespmem:s26+$0x180] =	vst v10  }
0x1ec: {  	s9 =	sor.u32 $0x20, s23;
	v10 =	vadd.f32 v11, v7;
	s20 =	sor.u32 s23, s10;
	s8 =	sor.u32 s6, s10;
	v11 =	vld.idx.msk [tilespmem:v14+s19+$0x0], $0xffff  }
0x1ed: {  	s26 =	smov.u32 s30;
	s24 =	sor.u32 s5, s10;
	s16 =	sor.u32 s9, s10;
	v13 =	vadd.f32 v13, v3;
	v14 =	vld [tilespmem:s8+$0x0];
	v6 =	vmov v15  }
0x1ee: {  	s30 =	smov.u32 s28;
	v15 =	vld [tilespmem:s20+$0x0];
	[tilespmem:s17+$0x80] =	vst v10  }
0x1ef: {  	v10 =	vld [tilespmem:s24+$0x0];
	[tilespmem:s30+$0x80] =	vst v13;
	v13 =	vadd.f32 v16, v8  }
0x1f0: {  	v12 =	vadd.f32 v12, v1;
	v1 =	vmov v4;
	v4 =	vmov v8;
	v16 =	vld [tilespmem:s16+$0x0]  }
0x1f1: {  	v18 =	vld [tilespmem:s0+$0x100];
	[tilespmem:s18+$0x80] =	vst v13  }
0x1f2: {  	s11 =	sshll.u32 s7, $0x5;
	v8 =	vadd.f32 v11, v2;
	v2 =	vmov v7;
	v13 =	vld [tilespmem:s1+$0x100];
	[tilespmem:s25+$0x180] =	vst v12;
	s25 =	smov.u32 s31;
	s31 =	smov.u32 s18  }
0x1f3: {  	s11 =	sand.u32 $0x3FFFFF00, s11;
	v7 =	vld.idx.msk [tilespmem:v17+s19+$0x0], $0xffff  }
0x1f4: {  	s11 =	sadd.s32 $0x1A700, s11;
	v11 =	vld [tilespmem:s4+$0x100];
	[tilespmem:s29+$0x180] =	vst v8;
	s29 =	smov.u32 s17  }
0x1f5: {  	s28 =	sor.u32 s6, s11;
	s18 =	sor.u32 s5, s11;
	s17 =	sor.u32 s23, s11;
	v8 =	vld.idx.msk [tilespmem:v14+s19+$0x0], $0xffff  }
0x1f6: {  	s11 =	sor.u32 s9, s11;
	v17 =	vld [tilespmem:s28+$0x80]  }
0x1f7: {  	v14 =	vld.idx.msk [tilespmem:v15+s19+$0x0], $0xffff  }
0x1f8: {  	v10 =	vld.idx.msk [tilespmem:v10+s19+$0x0], $0xffff  }
0x1f9: {  	v15 =	vld.idx.msk [tilespmem:v16+s19+$0x0], $0xffff;
	v16 =	vadd.f32 v7, v5  }
0x1fa: {  	v7 =	vld [tilespmem:s17+$0x80]  }
0x1fb: {  	s10 =	sadd.s32 $0x1D700, s10;
	v12 =	vld [tilespmem:s18+$0x80];
	v19 =	vadd.f32 v8, v17;
	[tilespmem:s22+$0x100] =	vst v16  }
0x1fc: {  	s28 =	sor.u32 s5, s10;
	s5 =	sor.u32 s6, s10;
	s17 =	sor.u32 s23, s10;
	v16 =	vld [tilespmem:s2+$0x180]  }
0x1fd: {  	s18 =	sor.u32 s9, s10;
	s2 =	smov.u32 s8;
	v8 =	vld [tilespmem:s11+$0x80];
	[tilespmem:s5+$0x0] =	vst v19  }
0x1fe: {  	v19 =	vld [tilespmem:s2+$0x80]  }
0x1ff: {  	v14 =	vadd.f32 v14, v7;
	v18 =	vld.idx.msk [tilespmem:v18+s19+$0x0], $0xffff  }
0x200: {  	v10 =	vadd.f32 v10, v12;
	v13 =	vld.idx.msk [tilespmem:v13+s19+$0x0], $0xffff  }
0x201: {  	[tilespmem:s17+$0x0] =	vst v14;
	v11 =	vld.idx.msk [tilespmem:v11+s19+$0x0], $0xffff  }
0x202: {  	v20 =	vld [tilespmem:s20+$0x80];
	[tilespmem:s28+$0x0] =	vst v10;
	v10 =	vadd.f32 v15, v8  }
0x203: {  	v15 =	vld [tilespmem:s24+$0x80]  }
0x204: {  	[tilespmem:s18+$0x0] =	vst v10;
	v21 =	vld.idx.msk [tilespmem:v16+s19+$0x0], $0xffff  }
0x205: {  	v10 =	vadd.f32 v18, v2;
	v16 =	vld [tilespmem:s16+$0x80]  }
0x206: {  	v13 =	vadd.f32 v13, v3;
	v18 =	vld.idx.msk [tilespmem:v19+s19+$0x0], $0xffff  }
0x207: {  	v11 =	vadd.f32 v11, v4;
	[tilespmem:s29+$0x100] =	vst v10;
	v10 =	vld.idx.msk [tilespmem:v9+s19+$0x0], $0xffff  }
.Ltmp1:
0x208: {  	v14 =	vld [tilespmem:s0+$0x180];
	[tilespmem:s30+$0x100] =	vst v13;
	s0 =	smov.u32 s20;
	(pc) =	sbr.rel @p0 .LBB2_4-.Ltmp1, $4  }
0x209: {  	v9 =	vld [tilespmem:s1+$0x180];
	[tilespmem:s31+$0x100] =	vst v11;
	s1 =	smov.u32 s24  }
0x20a: {  	v19 =	vadd.f32 v21, v5;
	v5 =	vmov v17;
	v11 =	vld.idx.msk [tilespmem:v20+s19+$0x0], $0xffff  }
0x20b: {  	v13 =	vld.idx.msk [tilespmem:v15+s19+$0x0], $0xffff  }
0x20c: {  	v17 =	vadd.f32 v18, v5;
	v15 =	vld [tilespmem:s4+$0x180];
	[tilespmem:s22+$0x180] =	vst v19;
	s4 =	smov.u32 s16;
	s22 =	smov.u32 s5  }
0x20d: {  	_ =	sdelay $0x3  }
0x20e: {  	v16 =	vld.idx.msk [tilespmem:v16+s19+$0x0], $0xffff;
	_ =	sdelay $0x2  }
0x20f: {  	v11 =	vadd.f32 v11, v7  }
0x210: {  	[tilespmem:s22+$0x80] =	vst v17;
	v13 =	vadd.f32 v13, v12  }
0x211: {  	v17 =	vld [tilespmem:s2+$0x100];
	[tilespmem:s17+$0x80] =	vst v11;
	v47 =	vadd.f32 v16, v8  }
0x212: {  	[tilespmem:s28+$0x80] =	vst v13;
	v48 =	vld [tilespmem:s0+$0x100]  }
0x213: {  	v49 =	vld [tilespmem:s1+$0x100];
	[tilespmem:s18+$0x80] =	vst v47  }
0x214: {  	v50 =	vld [tilespmem:s4+$0x100];
	_ =	sdelay $0x4  }
0x215: {  	v17 =	vld.idx.msk [tilespmem:v17+s19+$0x0], $0xffff  }
0x216: {  	v13 =	vld.idx.msk [tilespmem:v48+s19+$0x0], $0xffff  }
0x217: {  	v11 =	vld.idx.msk [tilespmem:v49+s19+$0x0], $0xffff  }
0x218: {  	v16 =	vld.idx.msk [tilespmem:v50+s19+$0x0], $0xffff;
	_ =	sdelay $0x1  }
0x219: {  	v17 =	vadd.f32 v17, v5  }
0x21a: {  	v13 =	vadd.f32 v13, v7  }
0x21b: {  	[tilespmem:s22+$0x100] =	vst v17;
	v11 =	vadd.f32 v11, v12  }
0x21c: {  	v17 =	vld [tilespmem:s2+$0x180];
	[tilespmem:s17+$0x100] =	vst v13;
	v51 =	vadd.f32 v16, v8  }
0x21d: {  	v52 =	vld [tilespmem:s0+$0x180];
	[tilespmem:s28+$0x100] =	vst v11  }
0x21e: {  	v11 =	vld [tilespmem:s1+$0x180];
	[tilespmem:s18+$0x100] =	vst v51  }
0x21f: {  	v13 =	vld [tilespmem:s4+$0x180]  }
0x220: {  	v6 =	vld.idx.msk [tilespmem:v6+s19+$0x0], $0xffff  }
0x221: {  	v14 =	vld.idx.msk [tilespmem:v14+s19+$0x0], $0xffff  }
0x222: {  	v9 =	vld.idx.msk [tilespmem:v9+s19+$0x0], $0xffff  }
0x223: {  	v53 =	vld.idx.msk [tilespmem:v15+s19+$0x0], $0xffff  }
0x224: {  	v0 =	vadd.f32 v10, v0;
	v17 =	vld.idx.msk [tilespmem:v17+s19+$0x0], $0xffff  }
0x225: {  	v1 =	vadd.f32 v6, v1;
	v54 =	vld.idx.msk [tilespmem:v52+s19+$0x0], $0xffff  }
0x226: {  	[tilespmem:s26+$0x180] =	vst v0;
	v55 =	vadd.f32 v14, v2;
	v56 =	vld.idx.msk [tilespmem:v11+s19+$0x0], $0xffff  }
0x227: {  	v59 =	vadd.f32 v9, v3;
	[tilespmem:s25+$0x180] =	vst v1;
	v58 =	vld.idx.msk [tilespmem:v13+s19+$0x0], $0xffff  }
0x228: {  	[tilespmem:s29+$0x180] =	vst v55;
	v60 =	vadd.f32 v53, v4  }
0x229: {  	[tilespmem:s30+$0x180] =	vst v59;
	v57 =	vadd.f32 v17, v5  }
0x22a: {  	[tilespmem:s31+$0x180] =	vst v60;
	v61 =	vadd.f32 v54, v7  }
0x22b: {  	[tilespmem:s22+$0x180] =	vst v57;
	v62 =	vadd.f32 v56, v12  }
0x22c: {  	[tilespmem:s17+$0x180] =	vst v61;
	v63 =	vadd.f32 v58, v8  }
0x22d: {  	[tilespmem:s28+$0x180] =	vst v62  }
0x22e: {  	s20 =	simm.s32 $0x1D700;
	[tilespmem:s18+$0x180] =	vst v63  }
0x22f: {  	[hbm4b:s12+s3] =	stream.linear.scatter [tilespmem:s20], [sflag:$0x2], $0x80, $0x38;
	[tilespmem:$0x1F700] =	vst v63  }
0x230: {  	s21 =	sadd.s32 $0x80, s12;
	s22 =	simm.s32 $0x1D900  }
0x231: {  	[hbm4b:s21+s3] =	stream.linear.scatter [tilespmem:s22], [sflag:$0x2], $0x80, $0x38;
	[tilespmem:$0x1F700] =	vst v63  }
0x232: {  	s23 =	sadd.s32 $0x100, s12;
	s24 =	simm.s32 $0x1DB00  }
0x233: {  	[hbm4b:s23+s3] =	stream.linear.scatter [tilespmem:s24], [sflag:$0x2], $0x80, $0x38;
	[tilespmem:$0x1F700] =	vst v63  }
0x234: {  	s26 =	simm.s32 $0x1DD00;
	s25 =	sadd.s32 $0x180, s12  }
0x235: {  	[hbm4b:s25+s3] =	stream.linear.scatter [tilespmem:s26], [sflag:$0x2], $0x80, $0x38;
	[tilespmem:$0x1F700] =	vst v63  }
0x236: {  	s29 =	simm.s32 $0x1DF00;
	s28 =	sadd.s32 $0x200, s12  }
0x237: {  	[hbm4b:s28+s3] =	stream.linear.scatter [tilespmem:s29], [sflag:$0x2], $0x80, $0x38;
	[tilespmem:$0x1F700] =	vst v63  }
0x238: {  	s30 =	sadd.s32 $0x280, s12;
	s31 =	simm.s32 $0x1E100  }
0x239: {  	[hbm4b:s30+s3] =	stream.linear.scatter [tilespmem:s31], [sflag:$0x2], $0x80, $0x38;
	[tilespmem:$0x1F700] =	vst v63  }
0x23a: {  	s2 =	sadd.s32 $0x300, s12;
	s4 =	simm.s32 $0x1E300  }
0x23b: {  	[hbm4b:s2+s3] =	stream.linear.scatter [tilespmem:s4], [sflag:$0x2], $0x80, $0x38;
	[tilespmem:$0x1F700] =	vst v63  }
0x23c: {  	s5 =	sadd.s32 $0x380, s12;
	s6 =	simm.s32 $0x1E500  }
0x23d: {  	[hbm4b:s5+s3] =	stream.linear.scatter [tilespmem:s6], [sflag:$0x2], $0x80, $0x38;
	[tilespmem:$0x1F700] =	vst v63  }
0x23e: {  	s7 =	sadd.s32 $0x400, s12;
	s8 =	simm.s32 $0x1E700  }
0x23f: {  	[hbm4b:s7+s3] =	stream.linear.scatter [tilespmem:s8], [sflag:$0x2], $0x80, $0x38;
	[tilespmem:$0x1F700] =	vst v63  }
0x240: {  	s9 =	sadd.s32 $0x480, s12;
	s10 =	simm.s32 $0x1E900  }
0x241: {  	[hbm4b:s9+s3] =	stream.linear.scatter [tilespmem:s10], [sflag:$0x2], $0x80, $0x38;
	[tilespmem:$0x1F700] =	vst v63  }
0x242: {  	s11 =	sadd.s32 $0x500, s12;
	s16 =	simm.s32 $0x1EB00  }
0x243: {  	[hbm4b:s11+s3] =	stream.linear.scatter [tilespmem:s16], [sflag:$0x2], $0x80, $0x38;
	[tilespmem:$0x1F700] =	vst v63  }
0x244: {  	s17 =	sadd.s32 $0x580, s12;
	s18 =	simm.s32 $0x1ED00  }
0x245: {  	[hbm4b:s17+s3] =	stream.linear.scatter [tilespmem:s18], [sflag:$0x2], $0x80, $0x38;
	[tilespmem:$0x1F700] =	vst v63  }
0x246: {  	s20 =	sadd.s32 $0x600, s12;
	s21 =	simm.s32 $0x1EF00  }
0x247: {  	[hbm4b:s20+s3] =	stream.linear.scatter [tilespmem:s21], [sflag:$0x2], $0x80, $0x38;
	[tilespmem:$0x1F700] =	vst v63  }
0x248: {  	s22 =	sadd.s32 $0x680, s12;
	s23 =	simm.s32 $0x1F100  }
0x249: {  	[hbm4b:s22+s3] =	stream.linear.scatter [tilespmem:s23], [sflag:$0x2], $0x80, $0x38;
	[tilespmem:$0x1F700] =	vst v63  }
0x24a: {  	s24 =	sadd.s32 $0x700, s12;
	s25 =	simm.s32 $0x1F300  }
0x24b: {  	[hbm4b:s24+s3] =	stream.linear.scatter [tilespmem:s25], [sflag:$0x2], $0x80, $0x38;
	[tilespmem:$0x1F700] =	vst v63  }
0x24c: {  	s26 =	sadd.s32 $0x780, s12;
	s28 =	simm.s32 $0x1F500  }
0x24d: {  	[hbm4b:s26+s3] =	stream.linear.scatter [tilespmem:s28], [sflag:$0x2], $0x80, $0x38;
	[tilespmem:$0x1F700] =	vst v63  }
0x24e: {  	s29 =	simm.s32 $0x1D780  }
0x24f: {  	[hbm4b:s13+s3] =	stream.linear.scatter [tilespmem:s29], [sflag:$0x2], $0x80, $0x38;
	[tilespmem:$0x1F700] =	vst v63  }
0x250: {  	s30 =	sadd.s32 $0x80, s13;
	s31 =	simm.s32 $0x1D980  }
0x251: {  	[hbm4b:s30+s3] =	stream.linear.scatter [tilespmem:s31], [sflag:$0x2], $0x80, $0x38;
	[tilespmem:$0x1F700] =	vst v63  }
0x252: {  	s1 =	sadd.s32 $0x100, s13;
	s2 =	simm.s32 $0x1DB80  }
0x253: {  	[hbm4b:s1+s3] =	stream.linear.scatter [tilespmem:s2], [sflag:$0x2], $0x80, $0x38;
	[tilespmem:$0x1F700] =	vst v63  }
0x254: {  	s4 =	sadd.s32 $0x180, s13;
	s5 =	simm.s32 $0x1DD80  }
0x255: {  	[hbm4b:s4+s3] =	stream.linear.scatter [tilespmem:s5], [sflag:$0x2], $0x80, $0x38;
	[tilespmem:$0x1F700] =	vst v63  }
0x256: {  	s6 =	sadd.s32 $0x200, s13;
	s7 =	simm.s32 $0x1DF80  }
0x257: {  	[hbm4b:s6+s3] =	stream.linear.scatter [tilespmem:s7], [sflag:$0x2], $0x80, $0x38;
	[tilespmem:$0x1F700] =	vst v63  }
0x258: {  	s8 =	sadd.s32 $0x280, s13;
	s9 =	simm.s32 $0x1E180  }
0x259: {  	[hbm4b:s8+s3] =	stream.linear.scatter [tilespmem:s9], [sflag:$0x2], $0x80, $0x38;
	[tilespmem:$0x1F700] =	vst v63  }
0x25a: {  	s10 =	sadd.s32 $0x300, s13;
	s11 =	simm.s32 $0x1E380  }
0x25b: {  	[hbm4b:s10+s3] =	stream.linear.scatter [tilespmem:s11], [sflag:$0x2], $0x80, $0x38;
	[tilespmem:$0x1F700] =	vst v63  }
0x25c: {  	s16 =	sadd.s32 $0x380, s13;
	s17 =	simm.s32 $0x1E580  }
0x25d: {  	[hbm4b:s16+s3] =	stream.linear.scatter [tilespmem:s17], [sflag:$0x2], $0x80, $0x38;
	[tilespmem:$0x1F700] =	vst v63  }
0x25e: {  	s18 =	sadd.s32 $0x400, s13;
	s20 =	simm.s32 $0x1E780  }
0x25f: {  	[hbm4b:s18+s3] =	stream.linear.scatter [tilespmem:s20], [sflag:$0x2], $0x80, $0x38;
	[tilespmem:$0x1F700] =	vst v63  }
0x260: {  	s21 =	sadd.s32 $0x480, s13;
	s22 =	simm.s32 $0x1E980  }
0x261: {  	[hbm4b:s21+s3] =	stream.linear.scatter [tilespmem:s22], [sflag:$0x2], $0x80, $0x38;
	[tilespmem:$0x1F700] =	vst v63  }
0x262: {  	s23 =	sadd.s32 $0x500, s13;
	s24 =	simm.s32 $0x1EB80  }
0x263: {  	[hbm4b:s23+s3] =	stream.linear.scatter [tilespmem:s24], [sflag:$0x2], $0x80, $0x38;
	[tilespmem:$0x1F700] =	vst v63  }
0x264: {  	s25 =	sadd.s32 $0x580, s13;
	s26 =	simm.s32 $0x1ED80  }
0x265: {  	[hbm4b:s25+s3] =	stream.linear.scatter [tilespmem:s26], [sflag:$0x2], $0x80, $0x38;
	[tilespmem:$0x1F700] =	vst v63  }
0x266: {  	s28 =	sadd.s32 $0x600, s13;
	s29 =	simm.s32 $0x1EF80  }
0x267: {  	[hbm4b:s28+s3] =	stream.linear.scatter [tilespmem:s29], [sflag:$0x2], $0x80, $0x38;
	[tilespmem:$0x1F700] =	vst v63  }
0x268: {  	s30 =	sadd.s32 $0x680, s13;
	s31 =	simm.s32 $0x1F180  }
0x269: {  	[hbm4b:s30+s3] =	stream.linear.scatter [tilespmem:s31], [sflag:$0x2], $0x80, $0x38;
	[tilespmem:$0x1F700] =	vst v63  }
0x26a: {  	s2 =	sadd.s32 $0x700, s13;
	s4 =	simm.s32 $0x1F380  }
0x26b: {  	[hbm4b:s2+s3] =	stream.linear.scatter [tilespmem:s4], [sflag:$0x2], $0x80, $0x38;
	[tilespmem:$0x1F700] =	vst v63  }
0x26c: {  	s5 =	sadd.s32 $0x780, s13;
	s6 =	simm.s32 $0x1F580  }
0x26d: {  	[hbm4b:s5+s3] =	stream.linear.scatter [tilespmem:s6], [sflag:$0x2], $0x80, $0x38;
	[tilespmem:$0x1F700] =	vst v63  }
0x26e: {  	s7 =	simm.s32 $0x1D800  }
0x26f: {  	[hbm4b:s14+s3] =	stream.linear.scatter [tilespmem:s7], [sflag:$0x2], $0x80, $0x38;
	[tilespmem:$0x1F700] =	vst v63  }
0x270: {  	s8 =	sadd.s32 $0x80, s14;
	s9 =	simm.s32 $0x1DA00  }
0x271: {  	[hbm4b:s8+s3] =	stream.linear.scatter [tilespmem:s9], [sflag:$0x2], $0x80, $0x38;
	[tilespmem:$0x1F700] =	vst v63  }
0x272: {  	s10 =	sadd.s32 $0x100, s14;
	s11 =	simm.s32 $0x1DC00  }
0x273: {  	[hbm4b:s10+s3] =	stream.linear.scatter [tilespmem:s11], [sflag:$0x2], $0x80, $0x38;
	[tilespmem:$0x1F700] =	vst v63  }
0x274: {  	s16 =	sadd.s32 $0x180, s14;
	s17 =	simm.s32 $0x1DE00  }
0x275: {  	[hbm4b:s16+s3] =	stream.linear.scatter [tilespmem:s17], [sflag:$0x2], $0x80, $0x38;
	[tilespmem:$0x1F700] =	vst v63  }
0x276: {  	s18 =	sadd.s32 $0x200, s14;
	s20 =	simm.s32 $0x1E000  }
0x277: {  	[hbm4b:s18+s3] =	stream.linear.scatter [tilespmem:s20], [sflag:$0x2], $0x80, $0x38;
	[tilespmem:$0x1F700] =	vst v63  }
0x278: {  	s21 =	sadd.s32 $0x280, s14;
	s22 =	simm.s32 $0x1E200  }
0x279: {  	[hbm4b:s21+s3] =	stream.linear.scatter [tilespmem:s22], [sflag:$0x2], $0x80, $0x38;
	[tilespmem:$0x1F700] =	vst v63  }
0x27a: {  	s23 =	sadd.s32 $0x300, s14;
	s24 =	simm.s32 $0x1E400  }
0x27b: {  	[hbm4b:s23+s3] =	stream.linear.scatter [tilespmem:s24], [sflag:$0x2], $0x80, $0x38;
	[tilespmem:$0x1F700] =	vst v63  }
0x27c: {  	s25 =	sadd.s32 $0x380, s14;
	s26 =	simm.s32 $0x1E600  }
0x27d: {  	[hbm4b:s25+s3] =	stream.linear.scatter [tilespmem:s26], [sflag:$0x2], $0x80, $0x38;
	[tilespmem:$0x1F700] =	vst v63  }
0x27e: {  	s28 =	sadd.s32 $0x400, s14;
	s29 =	simm.s32 $0x1E800  }
0x27f: {  	[hbm4b:s28+s3] =	stream.linear.scatter [tilespmem:s29], [sflag:$0x2], $0x80, $0x38;
	[tilespmem:$0x1F700] =	vst v63  }
0x280: {  	s30 =	sadd.s32 $0x480, s14;
	s31 =	simm.s32 $0x1EA00  }
0x281: {  	[hbm4b:s30+s3] =	stream.linear.scatter [tilespmem:s31], [sflag:$0x2], $0x80, $0x38;
	[tilespmem:$0x1F700] =	vst v63  }
0x282: {  	s2 =	sadd.s32 $0x500, s14;
	s4 =	simm.s32 $0x1EC00  }
0x283: {  	[hbm4b:s2+s3] =	stream.linear.scatter [tilespmem:s4], [sflag:$0x2], $0x80, $0x38;
	[tilespmem:$0x1F700] =	vst v63  }
0x284: {  	s5 =	sadd.s32 $0x580, s14;
	s6 =	simm.s32 $0x1EE00  }
0x285: {  	[hbm4b:s5+s3] =	stream.linear.scatter [tilespmem:s6], [sflag:$0x2], $0x80, $0x38;
	[tilespmem:$0x1F700] =	vst v63  }
0x286: {  	s7 =	sadd.s32 $0x600, s14;
	s8 =	simm.s32 $0x1F000  }
0x287: {  	[hbm4b:s7+s3] =	stream.linear.scatter [tilespmem:s8], [sflag:$0x2], $0x80, $0x38;
	[tilespmem:$0x1F700] =	vst v63  }
0x288: {  	s9 =	sadd.s32 $0x680, s14;
	s10 =	simm.s32 $0x1F200  }
0x289: {  	[hbm4b:s9+s3] =	stream.linear.scatter [tilespmem:s10], [sflag:$0x2], $0x80, $0x38;
	[tilespmem:$0x1F700] =	vst v63  }
0x28a: {  	s11 =	sadd.s32 $0x700, s14;
	s16 =	simm.s32 $0x1F400  }
0x28b: {  	[hbm4b:s11+s3] =	stream.linear.scatter [tilespmem:s16], [sflag:$0x2], $0x80, $0x38;
	[tilespmem:$0x1F700] =	vst v63  }
0x28c: {  	s17 =	sadd.s32 $0x780, s14;
	s18 =	simm.s32 $0x1F600  }
0x28d: {  	[hbm4b:s17+s3] =	stream.linear.scatter [tilespmem:s18], [sflag:$0x2], $0x80, $0x38;
	[tilespmem:$0x1F700] =	vst v63  }
0x28e: {  	s20 =	simm.s32 $0x1D880  }
0x28f: {  	[hbm4b:s15+s3] =	stream.linear.scatter [tilespmem:s20], [sflag:$0x2], $0x80, $0x38;
	[tilespmem:$0x1F700] =	vst v63  }
0x290: {  	s21 =	sadd.s32 $0x80, s15;
	s22 =	simm.s32 $0x1DA80  }
0x291: {  	[hbm4b:s21+s3] =	stream.linear.scatter [tilespmem:s22], [sflag:$0x2], $0x80, $0x38;
	[tilespmem:$0x1F700] =	vst v63  }
0x292: {  	s23 =	sadd.s32 $0x100, s15;
	s24 =	simm.s32 $0x1DC80  }
0x293: {  	[hbm4b:s23+s3] =	stream.linear.scatter [tilespmem:s24], [sflag:$0x2], $0x80, $0x38;
	[tilespmem:$0x1F700] =	vst v63  }
0x294: {  	s25 =	sadd.s32 $0x180, s15;
	s26 =	simm.s32 $0x1DE80  }
0x295: {  	[hbm4b:s25+s3] =	stream.linear.scatter [tilespmem:s26], [sflag:$0x2], $0x80, $0x38;
	[tilespmem:$0x1F700] =	vst v63  }
0x296: {  	s28 =	sadd.s32 $0x200, s15;
	s29 =	simm.s32 $0x1E080  }
0x297: {  	[hbm4b:s28+s3] =	stream.linear.scatter [tilespmem:s29], [sflag:$0x2], $0x80, $0x38;
	[tilespmem:$0x1F700] =	vst v63  }
0x298: {  	s30 =	sadd.s32 $0x280, s15;
	s31 =	simm.s32 $0x1E280  }
0x299: {  	[hbm4b:s30+s3] =	stream.linear.scatter [tilespmem:s31], [sflag:$0x2], $0x80, $0x38;
	[tilespmem:$0x1F700] =	vst v63  }
0x29a: {  	s2 =	sadd.s32 $0x300, s15;
	s4 =	simm.s32 $0x1E480  }
0x29b: {  	[hbm4b:s2+s3] =	stream.linear.scatter [tilespmem:s4], [sflag:$0x2], $0x80, $0x38;
	[tilespmem:$0x1F700] =	vst v63  }
0x29c: {  	s5 =	sadd.s32 $0x380, s15;
	s6 =	simm.s32 $0x1E680  }
0x29d: {  	[hbm4b:s5+s3] =	stream.linear.scatter [tilespmem:s6], [sflag:$0x2], $0x80, $0x38;
	[tilespmem:$0x1F700] =	vst v63  }
0x29e: {  	s7 =	sadd.s32 $0x400, s15;
	s8 =	simm.s32 $0x1E880  }
0x29f: {  	[hbm4b:s7+s3] =	stream.linear.scatter [tilespmem:s8], [sflag:$0x2], $0x80, $0x38;
	[tilespmem:$0x1F700] =	vst v63  }
0x2a0: {  	s9 =	sadd.s32 $0x480, s15;
	s10 =	simm.s32 $0x1EA80  }
0x2a1: {  	[hbm4b:s9+s3] =	stream.linear.scatter [tilespmem:s10], [sflag:$0x2], $0x80, $0x38;
	[tilespmem:$0x1F700] =	vst v63  }
0x2a2: {  	s11 =	sadd.s32 $0x500, s15;
	s16 =	simm.s32 $0x1EC80  }
0x2a3: {  	[hbm4b:s11+s3] =	stream.linear.scatter [tilespmem:s16], [sflag:$0x2], $0x80, $0x38;
	[tilespmem:$0x1F700] =	vst v63  }
0x2a4: {  	s17 =	sadd.s32 $0x580, s15;
	s18 =	simm.s32 $0x1EE80  }
0x2a5: {  	[hbm4b:s17+s3] =	stream.linear.scatter [tilespmem:s18], [sflag:$0x2], $0x80, $0x38;
	[tilespmem:$0x1F700] =	vst v63  }
0x2a6: {  	s20 =	sadd.s32 $0x600, s15;
	s21 =	simm.s32 $0x1F080  }
0x2a7: {  	[hbm4b:s20+s3] =	stream.linear.scatter [tilespmem:s21], [sflag:$0x2], $0x80, $0x38;
	[tilespmem:$0x1F700] =	vst v63  }
0x2a8: {  	s22 =	sadd.s32 $0x680, s15;
	s23 =	simm.s32 $0x1F280  }
0x2a9: {  	[hbm4b:s22+s3] =	stream.linear.scatter [tilespmem:s23], [sflag:$0x2], $0x80, $0x38;
	[tilespmem:$0x1F700] =	vst v63  }
0x2aa: {  	s24 =	sadd.s32 $0x700, s15;
	s25 =	simm.s32 $0x1F480  }
0x2ab: {  	[hbm4b:s24+s3] =	stream.linear.scatter [tilespmem:s25], [sflag:$0x2], $0x80, $0x38;
	[tilespmem:$0x1F700] =	vst v63  }
0x2ac: {  	s26 =	sadd.s32 $0x780, s15;
	s28 =	simm.s32 $0x1F680;
	s29 =	simm.s32 $0x2  }
0x2ad: {  	[hbm4b:s26+s3] =	stream.linear.scatter [tilespmem:s28], [sflag:$0x2], $0x80, $0x38;
	[tilespmem:$0x1F700] =	vst v63  }
0x2ae: {  	_ =	swait.ge [sflag:s29], $0x800  }
0x2af: {  	[sflag:s29] =	ssyncset.done $0x0  }
0x2b0: {  	[sflag:s29] =	ssyncadd.s32 $0xFFFFF800  }
0x2b1: {  	_ =	swait.ge [sflag:s29], $0x800  }
0x2b2: {  	[sflag:s29] =	ssyncset.done $0x0  }
0x2b3: {  	[sflag:s29] =	ssyncadd.s32 $0xFFFFF800  }
0x2b4: {  	_ =	swait.ge [sflag:s29], $0x800  }
0x2b5: {  	[sflag:s29] =	ssyncset.done $0x0  }
0x2b6: {  	[sflag:s29] =	ssyncadd.s32 $0xFFFFF800  }
0x2b7: {  	_ =	swait.ge [sflag:s29], $0x800  }
0x2b8: {  	[sflag:s29] =	ssyncset.done $0x0  }
0x2b9: {  	[sflag:s29] =	ssyncadd.s32 $0xFFFFF800  }
0x2ba: {  	_ =	swait.ge [sflag:s29], $0x800  }
0x2bb: {  	[sflag:s29] =	ssyncset.done $0x0  }
0x2bc: {  	[sflag:s29] =	ssyncadd.s32 $0xFFFFF800  }
0x2bd: {  	_ =	swait.ge [sflag:s29], $0x800  }
0x2be: {  	[sflag:s29] =	ssyncset.done $0x0  }
0x2bf: {  	[sflag:s29] =	ssyncadd.s32 $0xFFFFF800  }
0x2c0: {  	_ =	swait.ge [sflag:s29], $0x800  }
0x2c1: {  	[sflag:s29] =	ssyncset.done $0x0  }
0x2c2: {  	[sflag:s29] =	ssyncadd.s32 $0xFFFFF800  }
0x2c3: {  	_ =	swait.ge [sflag:s29], $0x800  }
0x2c4: {  	s30 =	rddreg [dreg:$0xe]  }
0x2c5: {  	s31 =	rddreg [dreg:$0xd];
	s2 =	sadd.s32 $0x1, s30  }
0x2c6: {  	p0 =	sne.s32 s2, s31  }
.Ltmp2:
0x2c7: {  	_ = 	snop;
	(pc) =	sbr.rel @p0 .LBB2_1-.Ltmp2, $3  }
0x2c8: {  	_ =	sdelay $0x1  }
0x2c9: {  	[sflag:s29] =	ssyncset.done $0x0  }
0x2ca: {  	[sflag:s29] =	ssyncadd.s32 $0xFFFFF800  }
0x2cb: {  	_ =	sfence.sel $0x180000  }
0x2cc: {  	[bflag:$0x0] =	sbarrier.arrive $0xFFFF  }
0x2cd: {  	_ =	strace $0x90000047  }
0x2ce: {  	s0 =	stileid.u32;
	[bflag:$0x2] =	sbarrier.arrive $0xFFFF  }
0x2cf: {  	p0 =	sne.s32 s0, $0x0;
	s0 =	rddreg [dreg:$0x4]  }
0x2d0: {  	s0 =	sadd.s32 @!p0 $0x100000, s0  }
0x2d1: {  	[sflag:s0] =	ssyncadd.tile.s32 @!p0 $0x1;
	_ =	shalt  }
.Lfunc_end2:
_tile_overlayer_lowered:
.L_overlay_start_2:
0x2d2: {  	(tag) =	ssettag $0x2  }
0x2d3: {  	s0 =	rddreg [dreg:$0x0];
	s2 =	stileid.u32  }
0x2d4: {  	s1 =	rddreg [dreg:$0x1];
	p0 =	sne.s32 s2, $0x0  }
0x2d5: {  	s3 =	rddreg [dreg:$0x2];
	[bflag:$0x3] =	sbarrier.arrive $0xFFFF;
	s2 =	simm.s32 @!p0 $0x1C03  }
0x2d6: {  	[timem:s3], [sflag:s2] =	dma.local @!p0 [hbm:s0], s1  }
0x2d7: {  	s0 =	simm.s32 @!p0 $0x3  }
0x2d8: {  	_ =	swait.ge @!p0 [sflag:s0], s1  }
0x2d9: {  	s1 =	ssub.s32 @!p0 $0x0, s1;
	[sflag:s0] =	ssyncset.done @!p0 $0x0  }
0x2da: {  	[sflag:s0] =	ssyncadd.s32 @!p0 s1  }
0x2db: {  	[bflag:$0x3] =	sbarrier.arrive $0xFFFF  }
0x2dc: {  	_ =	shalt  }

</sc_bundles>
